<compile_context>
chip_gen: v7x
topology: tpu7x:2x2x1
jax: 0.10.2.dev20260603
libtpu: 0.0.44.dev20260713+nightly
codegen_flags: <defaults>
</compile_context>

<pallas_src>
import functools

import jax
import jax.numpy as jnp
from jax import lax
from jax.experimental import pallas as pl
from jax.experimental.pallas import tpu as pltpu
from jax.experimental.pallas import tpu_sc as plsc

BOOK = 8192
CODE = 64
BATCH = 8192
GAMMA = 0.99
ALPHA = 1.0 - GAMMA

NC, NS, L = 2, 16, 16
TPC = BATCH // NS
CPC = CODE // NC
CHUNK = 128
NCHUNK = TPC // CHUNK


def _body(x_hbm, idx_hbm, n_hbm, m_hbm, out_hbm,
          acc_sh, cnt_sh, idx1_v, idx_v, x_v, zb_v, ones_v, m_v, n_v, cnt_v,
          out_v, sem, sem2):
    c = lax.axis_index("c")
    s = lax.axis_index("s")
    t0 = s * TPC
    c0 = c * CPC

    zeros = jnp.zeros((L,), jnp.float32)
    ones = jnp.ones((L,), jnp.float32)

    def _fill(i, _):
        for k in range(4):
            r = i * 4 + k
            zb_v[r, pl.ds(0, L)] = zeros
            zb_v[r, pl.ds(L, L)] = zeros
            zb_v[CHUNK + r, pl.ds(0, L)] = zeros
            zb_v[CHUNK + r, pl.ds(L, L)] = zeros
            zb_v[2 * CHUNK + r, pl.ds(0, L)] = zeros
            zb_v[2 * CHUNK + r, pl.ds(L, L)] = zeros
            zb_v[3 * CHUNK + r, pl.ds(0, L)] = zeros
            zb_v[3 * CHUNK + r, pl.ds(L, L)] = zeros
            ones_v[r, pl.ds(0, L)] = ones
        return 0
    lax.fori_loop(0, CHUNK // 4, _fill, 0)

    cps = [
        pltpu.async_copy(idx_hbm.at[pl.ds(t0, TPC)], idx1_v, sem),
        pltpu.async_copy(x_hbm.at[pl.ds(t0, TPC), pl.ds(c0, CPC)], x_v, sem),
    ]
    pltpu.sync_copy(zb_v, acc_sh.at[pl.ds(t0, TPC), :])
    pltpu.sync_copy(zb_v.at[:, pl.ds(0, L)], cnt_sh.at[pl.ds(t0, TPC), :])
    for cp in cps:
        cp.wait()
    for g in range(TPC // L):
        idx_v[g // (CHUNK // L), pl.ds((g % (CHUNK // L)) * L, L)] = (
            idx1_v[pl.ds(g * L, L)])
    plsc.subcore_barrier()

    for j in range(NCHUNK):
        pltpu.sync_copy(x_v.at[pl.ds(j * CHUNK, CHUNK), :],
                        acc_sh.at[idx_v.at[j]], add=True)
        pltpu.sync_copy(ones_v, cnt_sh.at[idx_v.at[j]], add=True)
    plsc.subcore_barrier()

    cp_m = pltpu.async_copy(m_hbm.at[pl.ds(t0, TPC), pl.ds(c0, CPC)], m_v,
                            sem2)
    cp_n = pltpu.async_copy(n_hbm.at[pl.ds(t0, TPC), :], n_v, sem2)
    pltpu.sync_copy(acc_sh.at[pl.ds(t0, TPC), :], x_v)
    pltpu.sync_copy(cnt_sh.at[pl.ds(t0, TPC), :], cnt_v)
    cp_m.wait()
    cp_n.wait()

    def _row(i, _):
        for k in range(8):
            r = i * 8 + k
            cvec = cnt_v[r, pl.ds(0, L)]
            nvec = n_v[r, pl.ds(0, L)]
            rv = 1.0 / (GAMMA * nvec + ALPHA * cvec)
            for g in range(CPC // L):
                mv = m_v[r, pl.ds(g * L, L)]
                av = x_v[r, pl.ds(g * L, L)]
                out_v[r, pl.ds(g * L, L)] = (GAMMA * mv + ALPHA * av) * rv
        return 0
    lax.fori_loop(0, TPC // 8, _row, 0)

    pltpu.sync_copy(out_v, out_hbm.at[pl.ds(t0, TPC), pl.ds(c0, CPC)])


_ema_update = pl.kernel(
    _body,
    out_type=jax.ShapeDtypeStruct((BOOK, CODE), jnp.float32),
    mesh=plsc.VectorSubcoreMesh(core_axis_name="c", subcore_axis_name="s",
                                num_cores=NC, num_subcores=NS),
    scratch_types=[
        pltpu.VMEM_SHARED((BOOK, CPC), jnp.float32),
        pltpu.VMEM_SHARED((BOOK, L), jnp.float32),
        pltpu.VMEM((TPC,), jnp.int32),
        pltpu.VMEM((NCHUNK, CHUNK), jnp.int32),
        pltpu.VMEM((TPC, CPC), jnp.float32),
        pltpu.VMEM((TPC, CPC), jnp.float32),
        pltpu.VMEM((CHUNK, L), jnp.float32),
        pltpu.VMEM((TPC, CPC), jnp.float32),
        pltpu.VMEM((TPC, L), jnp.float32),
        pltpu.VMEM((TPC, L), jnp.float32),
        pltpu.VMEM((TPC, CPC), jnp.float32),
        pltpu.SemaphoreType.DMA,
        pltpu.SemaphoreType.DMA,
    ],
    compiler_params=pltpu.CompilerParams(use_tc_tiling_on_sc=False),
    name="vq_ema_update_sc",
)


@jax.jit
def kernel(inputs, distances, idx, N, m, codebook):
    del distances, codebook
    n16 = jnp.broadcast_to(N, (BOOK, L))
    return _ema_update(inputs, idx, n16, m)

# --- scband reference (transcript-rebuilt; emitter-appended) ---
"""Pipeline reference for scband-emaupdater-8409545966131 (READ-ONLY COPY).

The authoritative reference and input builder live on the scoring server;
editing this copy changes nothing except your own understanding.
"""

import jax, jax.numpy as jnp
import numpy as np

BOOK_SIZE = 8192
CODE_SIZE = 64
BATCH = 8192
GAMMA = 0.99


def setup_inputs(seed: int = 0) -> dict:
    key = jax.random.key(seed)
    k1, k2, k3, k4 = jax.random.split(key, 4)
    inputs = jax.random.normal(k1, (BATCH, CODE_SIZE), dtype=jnp.float32)
    distances = jax.random.uniform(k2, (BATCH, BOOK_SIZE), dtype=jnp.float32)
    idx = jax.random.randint(k3, (BATCH,), 0, BOOK_SIZE, dtype=jnp.int32)
    # buffers / parameters sized per init_kwargs
    N = jnp.ones((BOOK_SIZE, 1), dtype=jnp.float32)
    m = jnp.zeros((BOOK_SIZE, CODE_SIZE), dtype=jnp.float32)
    codebook = jax.random.normal(k4, (BOOK_SIZE, CODE_SIZE), dtype=jnp.float32)
    return {"inputs": inputs, "distances": distances, "idx": idx,
            "N": N, "m": m, "codebook": codebook}


def reference(inputs, distances, idx, N, m, codebook):
    # torch.unique(idx, return_counts=True) + scatter into zeros == bincount
    counts = jnp.bincount(idx, length=BOOK_SIZE).astype(jnp.float32)[:, None]
    new_counts = counts  # zeros scatter-overwritten at embedding_idx
    batch_size = inputs.shape[0]
    mask = jnp.zeros((codebook.shape[0], batch_size), dtype=inputs.dtype)
    mask = mask.at[idx, jnp.arange(batch_size)].set(1.0)
    new_m = mask @ inputs
    N_new = GAMMA * N + (1.0 - GAMMA) * new_counts
    m_new = GAMMA * m + (1.0 - GAMMA) * new_m
    codebook_new = m_new / N_new
    return codebook_new

if __name__ == "__main__":
    import jax
    _d = setup_inputs()
    print(jax.jit(kernel)(*tuple(_d.values())))

</pallas_src>

<mosaic_0001>
#map = affine_map<(d0, d1) -> (0, 0)>
#map1 = affine_map<(d0, d1) -> (0)>
module attributes {stable_mosaic.version = 14 : i64} {
  func.func @vq_ema_update_sc(%arg0: i32, %arg1: i32, %arg2: memref<8192x64xf32, #tpu.memory_space<hbm>>, %arg3: memref<8192xi32, #tpu.memory_space<hbm>>, %arg4: memref<8192x16xf32, #tpu.memory_space<hbm>>, %arg5: memref<8192x64xf32, #tpu.memory_space<hbm>>, %arg6: memref<8192x64xf32, #tpu.memory_space<hbm>>, %arg7: memref<8192x32xf32, #tpu.memory_space<vmem_shared>>, %arg8: memref<8192x16xf32, #tpu.memory_space<vmem_shared>>, %arg9: memref<512xi32, #tpu.memory_space<vmem>>, %arg10: memref<4x128xi32, #tpu.memory_space<vmem>>, %arg11: memref<512x32xf32, #tpu.memory_space<vmem>>, %arg12: memref<512x32xf32, #tpu.memory_space<vmem>>, %arg13: memref<128x16xf32, #tpu.memory_space<vmem>>, %arg14: memref<512x32xf32, #tpu.memory_space<vmem>>, %arg15: memref<512x16xf32, #tpu.memory_space<vmem>>, %arg16: memref<512x16xf32, #tpu.memory_space<vmem>>, %arg17: memref<512x32xf32, #tpu.memory_space<vmem>>, %arg18: memref<!tpu.dma_semaphore, #tpu.memory_space<semaphore_mem>>, %arg19: memref<!tpu.dma_semaphore, #tpu.memory_space<semaphore_mem>>) attributes {dimension_semantics = [#tpu.dimension_semantics<core_parallel>, #tpu.dimension_semantics<subcore_parallel>], iteration_bounds = array<i64: 2, 16>, scalar_prefetch = 0 : i64, scratch_operands = 13 : i64, tpu.core_type = #tpu.core_type<sc_vector_subcore>, window_params = [{transform_indices = #map}, {transform_indices = #map1}, {transform_indices = #map}, {transform_indices = #map}, {transform_indices = #map}]} {
    %mul3A = arith.constant 512 : i32
    %mul3A_0 = arith.muli %arg1, %mul3A : i32
    %mul3A_1 = arith.constant 32 : i32
    %mul3A_2 = arith.muli %arg0, %mul3A_1 : i32
    %broadcast_in_dim3A = arith.constant 0.000000e+00 : f32
    %broadcast_in_dim3A_3 = vector.broadcast %broadcast_in_dim3A : f32 to vector<16xf32>
    %broadcast_in_dim3A_4 = arith.constant 1.000000e+00 : f32
    %broadcast_in_dim3A_5 = vector.broadcast %broadcast_in_dim3A_4 : f32 to vector<16xf32>
    %scan3A = arith.constant 0 : i32
    %scan3A_6 = arith.constant 0 : i32
    %scan3A_7 = arith.constant 32 : i32
    %scan3A_8 = arith.addi %scan3A_6, %scan3A_7 : i32
    %scan3A_9 = arith.constant 1 : i32
    %scan3A_10 = scf.for %scan3A_331 = %scan3A_6 to %scan3A_8 step %scan3A_9 iter_args(%scan3A_332 = %scan3A) -> (i32)  : i32 {
      %mul3A_333 = arith.constant 4 : i32
      %mul3A_334 = arith.muli %scan3A_331, %mul3A_333 : i32
      %add3A = arith.constant 0 : i32
      %add3A_335 = arith.addi %mul3A_334, %add3A : i32
      %swap3A_336 = arith.index_cast %add3A_335 : i32 to index
      %swap3A_337 = arith.constant 0 : index
      %swap3A_338 = tpu.vector_load %arg12[%swap3A_336, %swap3A_337] {strides = array<i32>} : memref<512x32xf32, #tpu.memory_space<vmem>>, vector<1x16xf32>,
      %swap3A_339 = vector.shape_cast %swap3A_338 : vector<1x16xf32> to vector<16xf32>
      %swap3A_340 = vector.shape_cast %broadcast_in_dim3A_3 : vector<16xf32> to vector<1x16xf32>
      tpu.vector_store %arg12[%swap3A_336, %swap3A_337], %swap3A_340 {strides = array<i32>} : memref<512x32xf32, #tpu.memory_space<vmem>>, vector<1x16xf32>,
      %swap3A_341 = arith.index_cast %add3A_335 : i32 to index
      %swap3A_342 = arith.constant 16 : index
      %swap3A_343 = tpu.vector_load %arg12[%swap3A_341, %swap3A_342] {strides = array<i32>} : memref<512x32xf32, #tpu.memory_space<vmem>>, vector<1x16xf32>,
      %swap3A_344 = vector.shape_cast %swap3A_343 : vector<1x16xf32> to vector<16xf32>
      %swap3A_345 = vector.shape_cast %broadcast_in_dim3A_3 : vector<16xf32> to vector<1x16xf32>
      tpu.vector_store %arg12[%swap3A_341, %swap3A_342], %swap3A_345 {strides = array<i32>} : memref<512x32xf32, #tpu.memory_space<vmem>>, vector<1x16xf32>,
      %add3A_346 = arith.constant 128 : i32
      %add3A_347 = arith.addi %add3A_346, %add3A_335 : i32
      %swap3A_348 = arith.index_cast %add3A_347 : i32 to index
      %swap3A_349 = arith.constant 0 : index
      %swap3A_350 = tpu.vector_load %arg12[%swap3A_348, %swap3A_349] {strides = array<i32>} : memref<512x32xf32, #tpu.memory_space<vmem>>, vector<1x16xf32>,
      %swap3A_351 = vector.shape_cast %swap3A_350 : vector<1x16xf32> to vector<16xf32>
      %swap3A_352 = vector.shape_cast %broadcast_in_dim3A_3 : vector<16xf32> to vector<1x16xf32>
      tpu.vector_store %arg12[%swap3A_348, %swap3A_349], %swap3A_352 {strides = array<i32>} : memref<512x32xf32, #tpu.memory_space<vmem>>, vector<1x16xf32>,
      %add3A_353 = arith.constant 128 : i32
      %add3A_354 = arith.addi %add3A_353, %add3A_335 : i32
      %swap3A_355 = arith.index_cast %add3A_354 : i32 to index
      %swap3A_356 = arith.constant 16 : index
      %swap3A_357 = tpu.vector_load %arg12[%swap3A_355, %swap3A_356] {strides = array<i32>} : memref<512x32xf32, #tpu.memory_space<vmem>>, vector<1x16xf32>,
      %swap3A_358 = vector.shape_cast %swap3A_357 : vector<1x16xf32> to vector<16xf32>
      %swap3A_359 = vector.shape_cast %broadcast_in_dim3A_3 : vector<16xf32> to vector<1x16xf32>
      tpu.vector_store %arg12[%swap3A_355, %swap3A_356], %swap3A_359 {strides = array<i32>} : memref<512x32xf32, #tpu.memory_space<vmem>>, vector<1x16xf32>,
      %add3A_360 = arith.constant 256 : i32
      %add3A_361 = arith.addi %add3A_360, %add3A_335 : i32
      %swap3A_362 = arith.index_cast %add3A_361 : i32 to index
      %swap3A_363 = arith.constant 0 : index
      %swap3A_364 = tpu.vector_load %arg12[%swap3A_362, %swap3A_363] {strides = array<i32>} : memref<512x32xf32, #tpu.memory_space<vmem>>, vector<1x16xf32>,
      %swap3A_365 = vector.shape_cast %swap3A_364 : vector<1x16xf32> to vector<16xf32>
      %swap3A_366 = vector.shape_cast %broadcast_in_dim3A_3 : vector<16xf32> to vector<1x16xf32>
      tpu.vector_store %arg12[%swap3A_362, %swap3A_363], %swap3A_366 {strides = array<i32>} : memref<512x32xf32, #tpu.memory_space<vmem>>, vector<1x16xf32>,
      %add3A_367 = arith.constant 256 : i32
      %add3A_368 = arith.addi %add3A_367, %add3A_335 : i32
      %swap3A_369 = arith.index_cast %add3A_368 : i32 to index
      %swap3A_370 = arith.constant 16 : index
      %swap3A_371 = tpu.vector_load %arg12[%swap3A_369, %swap3A_370] {strides = array<i32>} : memref<512x32xf32, #tpu.memory_space<vmem>>, vector<1x16xf32>,
      %swap3A_372 = vector.shape_cast %swap3A_371 : vector<1x16xf32> to vector<16xf32>
      %swap3A_373 = vector.shape_cast %broadcast_in_dim3A_3 : vector<16xf32> to vector<1x16xf32>
      tpu.vector_store %arg12[%swap3A_369, %swap3A_370], %swap3A_373 {strides = array<i32>} : memref<512x32xf32, #tpu.memory_space<vmem>>, vector<1x16xf32>,
      %add3A_374 = arith.constant 384 : i32
      %add3A_375 = arith.addi %add3A_374, %add3A_335 : i32
      %swap3A_376 = arith.index_cast %add3A_375 : i32 to index
      %swap3A_377 = arith.constant 0 : index
      %swap3A_378 = tpu.vector_load %arg12[%swap3A_376, %swap3A_377] {strides = array<i32>} : memref<512x32xf32, #tpu.memory_space<vmem>>, vector<1x16xf32>,
      %swap3A_379 = vector.shape_cast %swap3A_378 : vector<1x16xf32> to vector<16xf32>
      %swap3A_380 = vector.shape_cast %broadcast_in_dim3A_3 : vector<16xf32> to vector<1x16xf32>
      tpu.vector_store %arg12[%swap3A_376, %swap3A_377], %swap3A_380 {strides = array<i32>} : memref<512x32xf32, #tpu.memory_space<vmem>>, vector<1x16xf32>,
      %add3A_381 = arith.constant 384 : i32
      %add3A_382 = arith.addi %add3A_381, %add3A_335 : i32
      %swap3A_383 = arith.index_cast %add3A_382 : i32 to index
      %swap3A_384 = arith.constant 16 : index
      %swap3A_385 = tpu.vector_load %arg12[%swap3A_383, %swap3A_384] {strides = array<i32>} : memref<512x32xf32, #tpu.memory_space<vmem>>, vector<1x16xf32>,
      %swap3A_386 = vector.shape_cast %swap3A_385 : vector<1x16xf32> to vector<16xf32>
      %swap3A_387 = vector.shape_cast %broadcast_in_dim3A_3 : vector<16xf32> to vector<1x16xf32>
      tpu.vector_store %arg12[%swap3A_383, %swap3A_384], %swap3A_387 {strides = array<i32>} : memref<512x32xf32, #tpu.memory_space<vmem>>, vector<1x16xf32>,
      %swap3A_388 = arith.index_cast %add3A_335 : i32 to index
      %swap3A_389 = arith.constant 0 : index
      %swap3A_390 = tpu.vector_load %arg13[%swap3A_388, %swap3A_389] {strides = array<i32>} : memref<128x16xf32, #tpu.memory_space<vmem>>, vector<1x16xf32>,
      %swap3A_391 = vector.shape_cast %swap3A_390 : vector<1x16xf32> to vector<16xf32>
      %swap3A_392 = vector.shape_cast %broadcast_in_dim3A_5 : vector<16xf32> to vector<1x16xf32>
      tpu.vector_store %arg13[%swap3A_388, %swap3A_389], %swap3A_392 {strides = array<i32>} : memref<128x16xf32, #tpu.memory_space<vmem>>, vector<1x16xf32>,
      %mul3A_393 = arith.constant 4 : i32
      %mul3A_394 = arith.muli %scan3A_331, %mul3A_393 : i32
      %add3A_395 = arith.constant 1 : i32
      %add3A_396 = arith.addi %mul3A_394, %add3A_395 : i32
      %swap3A_397 = arith.index_cast %add3A_396 : i32 to index
      %swap3A_398 = arith.constant 0 : index
      %swap3A_399 = tpu.vector_load %arg12[%swap3A_397, %swap3A_398] {strides = array<i32>} : memref<512x32xf32, #tpu.memory_space<vmem>>, vector<1x16xf32>,
      %swap3A_400 = vector.shape_cast %swap3A_399 : vector<1x16xf32> to vector<16xf32>
      %swap3A_401 = vector.shape_cast %broadcast_in_dim3A_3 : vector<16xf32> to vector<1x16xf32>
      tpu.vector_store %arg12[%swap3A_397, %swap3A_398], %swap3A_401 {strides = array<i32>} : memref<512x32xf32, #tpu.memory_space<vmem>>, vector<1x16xf32>,
      %swap3A_402 = arith.index_cast %add3A_396 : i32 to index
      %swap3A_403 = arith.constant 16 : index
      %swap3A_404 = tpu.vector_load %arg12[%swap3A_402, %swap3A_403] {strides = array<i32>} : memref<512x32xf32, #tpu.memory_space<vmem>>, vector<1x16xf32>,
      %swap3A_405 = vector.shape_cast %swap3A_404 : vector<1x16xf32> to vector<16xf32>
      %swap3A_406 = vector.shape_cast %broadcast_in_dim3A_3 : vector<16xf32> to vector<1x16xf32>
      tpu.vector_store %arg12[%swap3A_402, %swap3A_403], %swap3A_406 {strides = array<i32>} : memref<512x32xf32, #tpu.memory_space<vmem>>, vector<1x16xf32>,
      %add3A_407 = arith.constant 128 : i32
      %add3A_408 = arith.addi %add3A_407, %add3A_396 : i32
      %swap3A_409 = arith.index_cast %add3A_408 : i32 to index
      %swap3A_410 = arith.constant 0 : index
      %swap3A_411 = tpu.vector_load %arg12[%swap3A_409, %swap3A_410] {strides = array<i32>} : memref<512x32xf32, #tpu.memory_space<vmem>>, vector<1x16xf32>,
      %swap3A_412 = vector.shape_cast %swap3A_411 : vector<1x16xf32> to vector<16xf32>
      %swap3A_413 = vector.shape_cast %broadcast_in_dim3A_3 : vector<16xf32> to vector<1x16xf32>
      tpu.vector_store %arg12[%swap3A_409, %swap3A_410], %swap3A_413 {strides = array<i32>} : memref<512x32xf32, #tpu.memory_space<vmem>>, vector<1x16xf32>,
      %add3A_414 = arith.constant 128 : i32
      %add3A_415 = arith.addi %add3A_414, %add3A_396 : i32
      %swap3A_416 = arith.index_cast %add3A_415 : i32 to index
      %swap3A_417 = arith.constant 16 : index
      %swap3A_418 = tpu.vector_load %arg12[%swap3A_416, %swap3A_417] {strides = array<i32>} : memref<512x32xf32, #tpu.memory_space<vmem>>, vector<1x16xf32>,
      %swap3A_419 = vector.shape_cast %swap3A_418 : vector<1x16xf32> to vector<16xf32>
      %swap3A_420 = vector.shape_cast %broadcast_in_dim3A_3 : vector<16xf32> to vector<1x16xf32>
      tpu.vector_store %arg12[%swap3A_416, %swap3A_417], %swap3A_420 {strides = array<i32>} : memref<512x32xf32, #tpu.memory_space<vmem>>, vector<1x16xf32>,
      %add3A_421 = arith.constant 256 : i32
      %add3A_422 = arith.addi %add3A_421, %add3A_396 : i32
      %swap3A_423 = arith.index_cast %add3A_422 : i32 to index
      %swap3A_424 = arith.constant 0 : index
      %swap3A_425 = tpu.vector_load %arg12[%swap3A_423, %swap3A_424] {strides = array<i32>} : memref<512x32xf32, #tpu.memory_space<vmem>>, vector<1x16xf32>,
      %swap3A_426 = vector.shape_cast %swap3A_425 : vector<1x16xf32> to vector<16xf32>
      %swap3A_427 = vector.shape_cast %broadcast_in_dim3A_3 : vector<16xf32> to vector<1x16xf32>
      tpu.vector_store %arg12[%swap3A_423, %swap3A_424], %swap3A_427 {strides = array<i32>} : memref<512x32xf32, #tpu.memory_space<vmem>>, vector<1x16xf32>,
      %add3A_428 = arith.constant 256 : i32
      %add3A_429 = arith.addi %add3A_428, %add3A_396 : i32
      %swap3A_430 = arith.index_cast %add3A_429 : i32 to index
      %swap3A_431 = arith.constant 16 : index
      %swap3A_432 = tpu.vector_load %arg12[%swap3A_430, %swap3A_431] {strides = array<i32>} : memref<512x32xf32, #tpu.memory_space<vmem>>, vector<1x16xf32>,
      %swap3A_433 = vector.shape_cast %swap3A_432 : vector<1x16xf32> to vector<16xf32>
      %swap3A_434 = vector.shape_cast %broadcast_in_dim3A_3 : vector<16xf32> to vector<1x16xf32>
      tpu.vector_store %arg12[%swap3A_430, %swap3A_431], %swap3A_434 {strides = array<i32>} : memref<512x32xf32, #tpu.memory_space<vmem>>, vector<1x16xf32>,
      %add3A_435 = arith.constant 384 : i32
      %add3A_436 = arith.addi %add3A_435, %add3A_396 : i32
      %swap3A_437 = arith.index_cast %add3A_436 : i32 to index
      %swap3A_438 = arith.constant 0 : index
      %swap3A_439 = tpu.vector_load %arg12[%swap3A_437, %swap3A_438] {strides = array<i32>} : memref<512x32xf32, #tpu.memory_space<vmem>>, vector<1x16xf32>,
      %swap3A_440 = vector.shape_cast %swap3A_439 : vector<1x16xf32> to vector<16xf32>
      %swap3A_441 = vector.shape_cast %broadcast_in_dim3A_3 : vector<16xf32> to vector<1x16xf32>
      tpu.vector_store %arg12[%swap3A_437, %swap3A_438], %swap3A_441 {strides = array<i32>} : memref<512x32xf32, #tpu.memory_space<vmem>>, vector<1x16xf32>,
      %add3A_442 = arith.constant 384 : i32
      %add3A_443 = arith.addi %add3A_442, %add3A_396 : i32
      %swap3A_444 = arith.index_cast %add3A_443 : i32 to index
      %swap3A_445 = arith.constant 16 : index
      %swap3A_446 = tpu.vector_load %arg12[%swap3A_444, %swap3A_445] {strides = array<i32>} : memref<512x32xf32, #tpu.memory_space<vmem>>, vector<1x16xf32>,
      %swap3A_447 = vector.shape_cast %swap3A_446 : vector<1x16xf32> to vector<16xf32>
      %swap3A_448 = vector.shape_cast %broadcast_in_dim3A_3 : vector<16xf32> to vector<1x16xf32>
      tpu.vector_store %arg12[%swap3A_444, %swap3A_445], %swap3A_448 {strides = array<i32>} : memref<512x32xf32, #tpu.memory_space<vmem>>, vector<1x16xf32>,
      %swap3A_449 = arith.index_cast %add3A_396 : i32 to index
      %swap3A_450 = arith.constant 0 : index
      %swap3A_451 = tpu.vector_load %arg13[%swap3A_449, %swap3A_450] {strides = array<i32>} : memref<128x16xf32, #tpu.memory_space<vmem>>, vector<1x16xf32>,
      %swap3A_452 = vector.shape_cast %swap3A_451 : vector<1x16xf32> to vector<16xf32>
      %swap3A_453 = vector.shape_cast %broadcast_in_dim3A_5 : vector<16xf32> to vector<1x16xf32>
      tpu.vector_store %arg13[%swap3A_449, %swap3A_450], %swap3A_453 {strides = array<i32>} : memref<128x16xf32, #tpu.memory_space<vmem>>, vector<1x16xf32>,
      %mul3A_454 = arith.constant 4 : i32
      %mul3A_455 = arith.muli %scan3A_331, %mul3A_454 : i32
      %add3A_456 = arith.constant 2 : i32
      %add3A_457 = arith.addi %mul3A_455, %add3A_456 : i32
      %swap3A_458 = arith.index_cast %add3A_457 : i32 to index
      %swap3A_459 = arith.constant 0 : index
      %swap3A_460 = tpu.vector_load %arg12[%swap3A_458, %swap3A_459] {strides = array<i32>} : memref<512x32xf32, #tpu.memory_space<vmem>>, vector<1x16xf32>,
      %swap3A_461 = vector.shape_cast %swap3A_460 : vector<1x16xf32> to vector<16xf32>
      %swap3A_462 = vector.shape_cast %broadcast_in_dim3A_3 : vector<16xf32> to vector<1x16xf32>
      tpu.vector_store %arg12[%swap3A_458, %swap3A_459], %swap3A_462 {strides = array<i32>} : memref<512x32xf32, #tpu.memory_space<vmem>>, vector<1x16xf32>,
      %swap3A_463 = arith.index_cast %add3A_457 : i32 to index
      %swap3A_464 = arith.constant 16 : index
      %swap3A_465 = tpu.vector_load %arg12[%swap3A_463, %swap3A_464] {strides = array<i32>} : memref<512x32xf32, #tpu.memory_space<vmem>>, vector<1x16xf32>,
      %swap3A_466 = vector.shape_cast %swap3A_465 : vector<1x16xf32> to vector<16xf32>
      %swap3A_467 = vector.shape_cast %broadcast_in_dim3A_3 : vector<16xf32> to vector<1x16xf32>
      tpu.vector_store %arg12[%swap3A_463, %swap3A_464], %swap3A_467 {strides = array<i32>} : memref<512x32xf32, #tpu.memory_space<vmem>>, vector<1x16xf32>,
      %add3A_468 = arith.constant 128 : i32
      %add3A_469 = arith.addi %add3A_468, %add3A_457 : i32
      %swap3A_470 = arith.index_cast %add3A_469 : i32 to index
      %swap3A_471 = arith.constant 0 : index
      %swap3A_472 = tpu.vector_load %arg12[%swap3A_470, %swap3A_471] {strides = array<i32>} : memref<512x32xf32, #tpu.memory_space<vmem>>, vector<1x16xf32>,
      %swap3A_473 = vector.shape_cast %swap3A_472 : vector<1x16xf32> to vector<16xf32>
      %swap3A_474 = vector.shape_cast %broadcast_in_dim3A_3 : vector<16xf32> to vector<1x16xf32>
      tpu.vector_store %arg12[%swap3A_470, %swap3A_471], %swap3A_474 {strides = array<i32>} : memref<512x32xf32, #tpu.memory_space<vmem>>, vector<1x16xf32>,
      %add3A_475 = arith.constant 128 : i32
      %add3A_476 = arith.addi %add3A_475, %add3A_457 : i32
      %swap3A_477 = arith.index_cast %add3A_476 : i32 to index
      %swap3A_478 = arith.constant 16 : index
      %swap3A_479 = tpu.vector_load %arg12[%swap3A_477, %swap3A_478] {strides = array<i32>} : memref<512x32xf32, #tpu.memory_space<vmem>>, vector<1x16xf32>,
      %swap3A_480 = vector.shape_cast %swap3A_479 : vector<1x16xf32> to vector<16xf32>
      %swap3A_481 = vector.shape_cast %broadcast_in_dim3A_3 : vector<16xf32> to vector<1x16xf32>
      tpu.vector_store %arg12[%swap3A_477, %swap3A_478], %swap3A_481 {strides = array<i32>} : memref<512x32xf32, #tpu.memory_space<vmem>>, vector<1x16xf32>,
      %add3A_482 = arith.constant 256 : i32
      %add3A_483 = arith.addi %add3A_482, %add3A_457 : i32
      %swap3A_484 = arith.index_cast %add3A_483 : i32 to index
      %swap3A_485 = arith.constant 0 : index
      %swap3A_486 = tpu.vector_load %arg12[%swap3A_484, %swap3A_485] {strides = array<i32>} : memref<512x32xf32, #tpu.memory_space<vmem>>, vector<1x16xf32>,
      %swap3A_487 = vector.shape_cast %swap3A_486 : vector<1x16xf32> to vector<16xf32>
      %swap3A_488 = vector.shape_cast %broadcast_in_dim3A_3 : vector<16xf32> to vector<1x16xf32>
      tpu.vector_store %arg12[%swap3A_484, %swap3A_485], %swap3A_488 {strides = array<i32>} : memref<512x32xf32, #tpu.memory_space<vmem>>, vector<1x16xf32>,
      %add3A_489 = arith.constant 256 : i32
      %add3A_490 = arith.addi %add3A_489, %add3A_457 : i32
      %swap3A_491 = arith.index_cast %add3A_490 : i32 to index
      %swap3A_492 = arith.constant 16 : index
      %swap3A_493 = tpu.vector_load %arg12[%swap3A_491, %swap3A_492] {strides = array<i32>} : memref<512x32xf32, #tpu.memory_space<vmem>>, vector<1x16xf32>,
      %swap3A_494 = vector.shape_cast %swap3A_493 : vector<1x16xf32> to vector<16xf32>
      %swap3A_495 = vector.shape_cast %broadcast_in_dim3A_3 : vector<16xf32> to vector<1x16xf32>
      tpu.vector_store %arg12[%swap3A_491, %swap3A_492], %swap3A_495 {strides = array<i32>} : memref<512x32xf32, #tpu.memory_space<vmem>>, vector<1x16xf32>,
      %add3A_496 = arith.constant 384 : i32
      %add3A_497 = arith.addi %add3A_496, %add3A_457 : i32
      %swap3A_498 = arith.index_cast %add3A_497 : i32 to index
      %swap3A_499 = arith.constant 0 : index
      %swap3A_500 = tpu.vector_load %arg12[%swap3A_498, %swap3A_499] {strides = array<i32>} : memref<512x32xf32, #tpu.memory_space<vmem>>, vector<1x16xf32>,
      %swap3A_501 = vector.shape_cast %swap3A_500 : vector<1x16xf32> to vector<16xf32>
      %swap3A_502 = vector.shape_cast %broadcast_in_dim3A_3 : vector<16xf32> to vector<1x16xf32>
      tpu.vector_store %arg12[%swap3A_498, %swap3A_499], %swap3A_502 {strides = array<i32>} : memref<512x32xf32, #tpu.memory_space<vmem>>, vector<1x16xf32>,
      %add3A_503 = arith.constant 384 : i32
      %add3A_504 = arith.addi %add3A_503, %add3A_457 : i32
      %swap3A_505 = arith.index_cast %add3A_504 : i32 to index
      %swap3A_506 = arith.constant 16 : index
      %swap3A_507 = tpu.vector_load %arg12[%swap3A_505, %swap3A_506] {strides = array<i32>} : memref<512x32xf32, #tpu.memory_space<vmem>>, vector<1x16xf32>,
      %swap3A_508 = vector.shape_cast %swap3A_507 : vector<1x16xf32> to vector<16xf32>
      %swap3A_509 = vector.shape_cast %broadcast_in_dim3A_3 : vector<16xf32> to vector<1x16xf32>
      tpu.vector_store %arg12[%swap3A_505, %swap3A_506], %swap3A_509 {strides = array<i32>} : memref<512x32xf32, #tpu.memory_space<vmem>>, vector<1x16xf32>,
      %swap3A_510 = arith.index_cast %add3A_457 : i32 to index
      %swap3A_511 = arith.constant 0 : index
      %swap3A_512 = tpu.vector_load %arg13[%swap3A_510, %swap3A_511] {strides = array<i32>} : memref<128x16xf32, #tpu.memory_space<vmem>>, vector<1x16xf32>,
      %swap3A_513 = vector.shape_cast %swap3A_512 : vector<1x16xf32> to vector<16xf32>
      %swap3A_514 = vector.shape_cast %broadcast_in_dim3A_5 : vector<16xf32> to vector<1x16xf32>
      tpu.vector_store %arg13[%swap3A_510, %swap3A_511], %swap3A_514 {strides = array<i32>} : memref<128x16xf32, #tpu.memory_space<vmem>>, vector<1x16xf32>,
      %mul3A_515 = arith.constant 4 : i32
      %mul3A_516 = arith.muli %scan3A_331, %mul3A_515 : i32
      %add3A_517 = arith.constant 3 : i32
      %add3A_518 = arith.addi %mul3A_516, %add3A_517 : i32
      %swap3A_519 = arith.index_cast %add3A_518 : i32 to index
      %swap3A_520 = arith.constant 0 : index
      %swap3A_521 = tpu.vector_load %arg12[%swap3A_519, %swap3A_520] {strides = array<i32>} : memref<512x32xf32, #tpu.memory_space<vmem>>, vector<1x16xf32>,
      %swap3A_522 = vector.shape_cast %swap3A_521 : vector<1x16xf32> to vector<16xf32>
      %swap3A_523 = vector.shape_cast %broadcast_in_dim3A_3 : vector<16xf32> to vector<1x16xf32>
      tpu.vector_store %arg12[%swap3A_519, %swap3A_520], %swap3A_523 {strides = array<i32>} : memref<512x32xf32, #tpu.memory_space<vmem>>, vector<1x16xf32>,
      %swap3A_524 = arith.index_cast %add3A_518 : i32 to index
      %swap3A_525 = arith.constant 16 : index
      %swap3A_526 = tpu.vector_load %arg12[%swap3A_524, %swap3A_525] {strides = array<i32>} : memref<512x32xf32, #tpu.memory_space<vmem>>, vector<1x16xf32>,
      %swap3A_527 = vector.shape_cast %swap3A_526 : vector<1x16xf32> to vector<16xf32>
      %swap3A_528 = vector.shape_cast %broadcast_in_dim3A_3 : vector<16xf32> to vector<1x16xf32>
      tpu.vector_store %arg12[%swap3A_524, %swap3A_525], %swap3A_528 {strides = array<i32>} : memref<512x32xf32, #tpu.memory_space<vmem>>, vector<1x16xf32>,
      %add3A_529 = arith.constant 128 : i32
      %add3A_530 = arith.addi %add3A_529, %add3A_518 : i32
      %swap3A_531 = arith.index_cast %add3A_530 : i32 to index
      %swap3A_532 = arith.constant 0 : index
      %swap3A_533 = tpu.vector_load %arg12[%swap3A_531, %swap3A_532] {strides = array<i32>} : memref<512x32xf32, #tpu.memory_space<vmem>>, vector<1x16xf32>,
      %swap3A_534 = vector.shape_cast %swap3A_533 : vector<1x16xf32> to vector<16xf32>
      %swap3A_535 = vector.shape_cast %broadcast_in_dim3A_3 : vector<16xf32> to vector<1x16xf32>
      tpu.vector_store %arg12[%swap3A_531, %swap3A_532], %swap3A_535 {strides = array<i32>} : memref<512x32xf32, #tpu.memory_space<vmem>>, vector<1x16xf32>,
      %add3A_536 = arith.constant 128 : i32
      %add3A_537 = arith.addi %add3A_536, %add3A_518 : i32
      %swap3A_538 = arith.index_cast %add3A_537 : i32 to index
      %swap3A_539 = arith.constant 16 : index
      %swap3A_540 = tpu.vector_load %arg12[%swap3A_538, %swap3A_539] {strides = array<i32>} : memref<512x32xf32, #tpu.memory_space<vmem>>, vector<1x16xf32>,
      %swap3A_541 = vector.shape_cast %swap3A_540 : vector<1x16xf32> to vector<16xf32>
      %swap3A_542 = vector.shape_cast %broadcast_in_dim3A_3 : vector<16xf32> to vector<1x16xf32>
      tpu.vector_store %arg12[%swap3A_538, %swap3A_539], %swap3A_542 {strides = array<i32>} : memref<512x32xf32, #tpu.memory_space<vmem>>, vector<1x16xf32>,
      %add3A_543 = arith.constant 256 : i32
      %add3A_544 = arith.addi %add3A_543, %add3A_518 : i32
      %swap3A_545 = arith.index_cast %add3A_544 : i32 to index
      %swap3A_546 = arith.constant 0 : index
      %swap3A_547 = tpu.vector_load %arg12[%swap3A_545, %swap3A_546] {strides = array<i32>} : memref<512x32xf32, #tpu.memory_space<vmem>>, vector<1x16xf32>,
      %swap3A_548 = vector.shape_cast %swap3A_547 : vector<1x16xf32> to vector<16xf32>
      %swap3A_549 = vector.shape_cast %broadcast_in_dim3A_3 : vector<16xf32> to vector<1x16xf32>
      tpu.vector_store %arg12[%swap3A_545, %swap3A_546], %swap3A_549 {strides = array<i32>} : memref<512x32xf32, #tpu.memory_space<vmem>>, vector<1x16xf32>,
      %add3A_550 = arith.constant 256 : i32
      %add3A_551 = arith.addi %add3A_550, %add3A_518 : i32
      %swap3A_552 = arith.index_cast %add3A_551 : i32 to index
      %swap3A_553 = arith.constant 16 : index
      %swap3A_554 = tpu.vector_load %arg12[%swap3A_552, %swap3A_553] {strides = array<i32>} : memref<512x32xf32, #tpu.memory_space<vmem>>, vector<1x16xf32>,
      %swap3A_555 = vector.shape_cast %swap3A_554 : vector<1x16xf32> to vector<16xf32>
      %swap3A_556 = vector.shape_cast %broadcast_in_dim3A_3 : vector<16xf32> to vector<1x16xf32>
      tpu.vector_store %arg12[%swap3A_552, %swap3A_553], %swap3A_556 {strides = array<i32>} : memref<512x32xf32, #tpu.memory_space<vmem>>, vector<1x16xf32>,
      %add3A_557 = arith.constant 384 : i32
      %add3A_558 = arith.addi %add3A_557, %add3A_518 : i32
      %swap3A_559 = arith.index_cast %add3A_558 : i32 to index
      %swap3A_560 = arith.constant 0 : index
      %swap3A_561 = tpu.vector_load %arg12[%swap3A_559, %swap3A_560] {strides = array<i32>} : memref<512x32xf32, #tpu.memory_space<vmem>>, vector<1x16xf32>,
      %swap3A_562 = vector.shape_cast %swap3A_561 : vector<1x16xf32> to vector<16xf32>
      %swap3A_563 = vector.shape_cast %broadcast_in_dim3A_3 : vector<16xf32> to vector<1x16xf32>
      tpu.vector_store %arg12[%swap3A_559, %swap3A_560], %swap3A_563 {strides = array<i32>} : memref<512x32xf32, #tpu.memory_space<vmem>>, vector<1x16xf32>,
      %add3A_564 = arith.constant 384 : i32
      %add3A_565 = arith.addi %add3A_564, %add3A_518 : i32
      %swap3A_566 = arith.index_cast %add3A_565 : i32 to index
      %swap3A_567 = arith.constant 16 : index
      %swap3A_568 = tpu.vector_load %arg12[%swap3A_566, %swap3A_567] {strides = array<i32>} : memref<512x32xf32, #tpu.memory_space<vmem>>, vector<1x16xf32>,
      %swap3A_569 = vector.shape_cast %swap3A_568 : vector<1x16xf32> to vector<16xf32>
      %swap3A_570 = vector.shape_cast %broadcast_in_dim3A_3 : vector<16xf32> to vector<1x16xf32>
      tpu.vector_store %arg12[%swap3A_566, %swap3A_567], %swap3A_570 {strides = array<i32>} : memref<512x32xf32, #tpu.memory_space<vmem>>, vector<1x16xf32>,
      %swap3A_571 = arith.index_cast %add3A_518 : i32 to index
      %swap3A_572 = arith.constant 0 : index
      %swap3A_573 = tpu.vector_load %arg13[%swap3A_571, %swap3A_572] {strides = array<i32>} : memref<128x16xf32, #tpu.memory_space<vmem>>, vector<1x16xf32>,
      %swap3A_574 = vector.shape_cast %swap3A_573 : vector<1x16xf32> to vector<16xf32>
      %swap3A_575 = vector.shape_cast %broadcast_in_dim3A_5 : vector<16xf32> to vector<1x16xf32>
      tpu.vector_store %arg13[%swap3A_571, %swap3A_572], %swap3A_575 {strides = array<i32>} : memref<128x16xf32, #tpu.memory_space<vmem>>, vector<1x16xf32>,
      %scan3A_576 = arith.constant 0 : i32
      scf.yield %scan3A_576 : i32
    }
    %scan3A_11 = arith.constant 32 : i32
    %dma_start3A = tpu.memref_slice %arg3[%mul3A_0] : memref<8192xi32, #tpu.memory_space<hbm>> -> memref<512xi32, #tpu.memory_space<hbm>>
    %dma_start3A_12 = tpu.memref_slice %arg3[%mul3A_0] : memref<8192xi32, #tpu.memory_space<hbm>> -> memref<512xi32, #tpu.memory_space<hbm>>
    tpu.enqueue_dma source(%dma_start3A_12 : memref<512xi32, #tpu.memory_space<hbm>>) target(%arg9 : memref<512xi32, #tpu.memory_space<vmem>>) target_semaphore(%arg18 : memref<!tpu.dma_semaphore, #tpu.memory_space<semaphore_mem>>)
    %dma_start3A_13 = tpu.memref_slice %arg2[%mul3A_0, %mul3A_2] : memref<8192x64xf32, #tpu.memory_space<hbm>> -> memref<512x32xf32, #tpu.memory_space<hbm>>
    %dma_start3A_14 = tpu.memref_slice %arg2[%mul3A_0, %mul3A_2] : memref<8192x64xf32, #tpu.memory_space<hbm>> -> memref<512x32xf32, #tpu.memory_space<hbm>>
    tpu.enqueue_dma source(%dma_start3A_14 : memref<512x32xf32, #tpu.memory_space<hbm>>) target(%arg11 : memref<512x32xf32, #tpu.memory_space<vmem>>) target_semaphore(%arg18 : memref<!tpu.dma_semaphore, #tpu.memory_space<semaphore_mem>>)
    "tpu.region"() ({
      %run_scoped3A_331 = tpu.sem_alloc : memref<!tpu.dma_semaphore, #tpu.memory_space<semaphore_mem>>
      %dma_start3A_332 = arith.constant 0 : i32
      %dma_start3A_333 = tpu.memref_slice %arg7[%mul3A_0, %dma_start3A_332] : memref<8192x32xf32, #tpu.memory_space<vmem_shared>> -> memref<512x32xf32, #tpu.memory_space<vmem_shared>>
      %dma_start3A_334 = arith.constant 0 : i32
      %dma_start3A_335 = tpu.memref_slice %arg7[%mul3A_0, %dma_start3A_334] : memref<8192x32xf32, #tpu.memory_space<vmem_shared>> -> memref<512x32xf32, #tpu.memory_space<vmem_shared>>
      tpu.enqueue_dma source(%arg12 : memref<512x32xf32, #tpu.memory_space<vmem>>) target(%dma_start3A_335 : memref<512x32xf32, #tpu.memory_space<vmem_shared>>) target_semaphore(%run_scoped3A_331 : memref<!tpu.dma_semaphore, #tpu.memory_space<semaphore_mem>>)
      %dma_wait3A_336 = arith.constant 0 : i32
      %dma_wait3A_337 = tpu.memref_slice %arg7[%mul3A_0, %dma_wait3A_336] : memref<8192x32xf32, #tpu.memory_space<vmem_shared>> -> memref<512x32xf32, #tpu.memory_space<vmem_shared>>
      %dma_wait3A_338 = arith.constant 0 : i32
      %dma_wait3A_339 = tpu.memref_slice %arg7[%mul3A_0, %dma_wait3A_338] : memref<8192x32xf32, #tpu.memory_space<vmem_shared>> -> memref<512x32xf32, #tpu.memory_space<vmem_shared>>
      tpu.wait_dma2 semaphore(%run_scoped3A_331 : memref<!tpu.dma_semaphore, #tpu.memory_space<semaphore_mem>>) src(%arg12 : memref<512x32xf32, #tpu.memory_space<vmem>>) dst(%dma_wait3A_339 : memref<512x32xf32, #tpu.memory_space<vmem_shared>>)
      tpu.yield
    }) : () -> ()
    "tpu.region"() ({
      %run_scoped3A_331 = tpu.sem_alloc : memref<!tpu.dma_semaphore, #tpu.memory_space<semaphore_mem>>
      %dma_start3A_332 = arith.constant 0 : i32
      %dma_start3A_333 = arith.constant 0 : i32
      %dma_start3A_334 = tpu.memref_slice %arg12[%dma_start3A_332, %dma_start3A_333] : memref<512x32xf32, #tpu.memory_space<vmem>> -> memref<512x16xf32, #tpu.memory_space<vmem>>
      %dma_start3A_335 = arith.constant 0 : i32
      %dma_start3A_336 = tpu.memref_slice %arg8[%mul3A_0, %dma_start3A_335] : memref<8192x16xf32, #tpu.memory_space<vmem_shared>> -> memref<512x16xf32, #tpu.memory_space<vmem_shared>>
      %dma_start3A_337 = arith.constant 0 : i32
      %dma_start3A_338 = tpu.memref_slice %arg8[%mul3A_0, %dma_start3A_337] : memref<8192x16xf32, #tpu.memory_space<vmem_shared>> -> memref<512x16xf32, #tpu.memory_space<vmem_shared>>
      %dma_start3A_339 = arith.constant 0 : i32
      %dma_start3A_340 = arith.constant 0 : i32
      %dma_start3A_341 = tpu.memref_slice %arg12[%dma_start3A_339, %dma_start3A_340] : memref<512x32xf32, #tpu.memory_space<vmem>> -> memref<512x16xf32, #tpu.memory_space<vmem>>
      tpu.enqueue_dma source(%dma_start3A_341 : memref<512x16xf32, #tpu.memory_space<vmem>>) target(%dma_start3A_338 : memref<512x16xf32, #tpu.memory_space<vmem_shared>>) target_semaphore(%run_scoped3A_331 : memref<!tpu.dma_semaphore, #tpu.memory_space<semaphore_mem>>)
      %dma_wait3A_342 = arith.constant 0 : i32
      %dma_wait3A_343 = arith.constant 0 : i32
      %dma_wait3A_344 = tpu.memref_slice %arg12[%dma_wait3A_342, %dma_wait3A_343] : memref<512x32xf32, #tpu.memory_space<vmem>> -> memref<512x16xf32, #tpu.memory_space<vmem>>
      %dma_wait3A_345 = arith.constant 0 : i32
      %dma_wait3A_346 = tpu.memref_slice %arg8[%mul3A_0, %dma_wait3A_345] : memref<8192x16xf32, #tpu.memory_space<vmem_shared>> -> memref<512x16xf32, #tpu.memory_space<vmem_shared>>
      %dma_wait3A_347 = arith.constant 0 : i32
      %dma_wait3A_348 = tpu.memref_slice %arg8[%mul3A_0, %dma_wait3A_347] : memref<8192x16xf32, #tpu.memory_space<vmem_shared>> -> memref<512x16xf32, #tpu.memory_space<vmem_shared>>
      %dma_wait3A_349 = arith.constant 0 : i32
      %dma_wait3A_350 = arith.constant 0 : i32
      %dma_wait3A_351 = tpu.memref_slice %arg12[%dma_wait3A_349, %dma_wait3A_350] : memref<512x32xf32, #tpu.memory_space<vmem>> -> memref<512x16xf32, #tpu.memory_space<vmem>>
      tpu.wait_dma2 semaphore(%run_scoped3A_331 : memref<!tpu.dma_semaphore, #tpu.memory_space<semaphore_mem>>) src(%dma_wait3A_351 : memref<512x16xf32, #tpu.memory_space<vmem>>) dst(%dma_wait3A_348 : memref<512x16xf32, #tpu.memory_space<vmem_shared>>)
      tpu.yield
    }) : () -> ()
    %dma_wait3A = tpu.memref_slice %arg3[%mul3A_0] : memref<8192xi32, #tpu.memory_space<hbm>> -> memref<512xi32, #tpu.memory_space<hbm>>
    %dma_wait3A_15 = tpu.memref_slice %arg3[%mul3A_0] : memref<8192xi32, #tpu.memory_space<hbm>> -> memref<512xi32, #tpu.memory_space<hbm>>
    tpu.wait_dma2 semaphore(%arg18 : memref<!tpu.dma_semaphore, #tpu.memory_space<semaphore_mem>>) src(%dma_wait3A_15 : memref<512xi32, #tpu.memory_space<hbm>>) dst(%arg9 : memref<512xi32, #tpu.memory_space<vmem>>)
    %dma_wait3A_16 = tpu.memref_slice %arg2[%mul3A_0, %mul3A_2] : memref<8192x64xf32, #tpu.memory_space<hbm>> -> memref<512x32xf32, #tpu.memory_space<hbm>>
    %dma_wait3A_17 = tpu.memref_slice %arg2[%mul3A_0, %mul3A_2] : memref<8192x64xf32, #tpu.memory_space<hbm>> -> memref<512x32xf32, #tpu.memory_space<hbm>>
    tpu.wait_dma2 semaphore(%arg18 : memref<!tpu.dma_semaphore, #tpu.memory_space<semaphore_mem>>) src(%dma_wait3A_17 : memref<512x32xf32, #tpu.memory_space<hbm>>) dst(%arg11 : memref<512x32xf32, #tpu.memory_space<vmem>>)
    %get3A = arith.constant 0 : index
    %get3A_18 = tpu.vector_load %arg9[%get3A] {strides = array<i32>} : memref<512xi32, #tpu.memory_space<vmem>>, vector<16xi32>,
    %get3A_19 = vector.shape_cast %get3A_18 : vector<16xi32> to vector<16xi32>
    %swap3A = arith.constant 0 : i32
    %swap3A_20 = arith.index_cast %swap3A : i32 to index
    %swap3A_21 = arith.constant 0 : index
    %swap3A_22 = tpu.vector_load %arg10[%swap3A_20, %swap3A_21] {strides = array<i32>} : memref<4x128xi32, #tpu.memory_space<vmem>>, vector<1x16xi32>,
    %swap3A_23 = vector.shape_cast %swap3A_22 : vector<1x16xi32> to vector<16xi32>
    %swap3A_24 = vector.shape_cast %get3A_19 : vector<16xi32> to vector<1x16xi32>
    tpu.vector_store %arg10[%swap3A_20, %swap3A_21], %swap3A_24 {strides = array<i32>} : memref<4x128xi32, #tpu.memory_space<vmem>>, vector<1x16xi32>,
    %get3A_25 = arith.constant 16 : index
    %get3A_26 = tpu.vector_load %arg9[%get3A_25] {strides = array<i32>} : memref<512xi32, #tpu.memory_space<vmem>>, vector<16xi32>,
    %get3A_27 = vector.shape_cast %get3A_26 : vector<16xi32> to vector<16xi32>
    %swap3A_28 = arith.constant 0 : i32
    %swap3A_29 = arith.index_cast %swap3A_28 : i32 to index
    %swap3A_30 = arith.constant 16 : index
    %swap3A_31 = tpu.vector_load %arg10[%swap3A_29, %swap3A_30] {strides = array<i32>} : memref<4x128xi32, #tpu.memory_space<vmem>>, vector<1x16xi32>,
    %swap3A_32 = vector.shape_cast %swap3A_31 : vector<1x16xi32> to vector<16xi32>
    %swap3A_33 = vector.shape_cast %get3A_27 : vector<16xi32> to vector<1x16xi32>
    tpu.vector_store %arg10[%swap3A_29, %swap3A_30], %swap3A_33 {strides = array<i32>} : memref<4x128xi32, #tpu.memory_space<vmem>>, vector<1x16xi32>,
    %get3A_34 = arith.constant 32 : index
    %get3A_35 = tpu.vector_load %arg9[%get3A_34] {strides = array<i32>} : memref<512xi32, #tpu.memory_space<vmem>>, vector<16xi32>,
    %get3A_36 = vector.shape_cast %get3A_35 : vector<16xi32> to vector<16xi32>
    %swap3A_37 = arith.constant 0 : i32
    %swap3A_38 = arith.index_cast %swap3A_37 : i32 to index
    %swap3A_39 = arith.constant 32 : index
    %swap3A_40 = tpu.vector_load %arg10[%swap3A_38, %swap3A_39] {strides = array<i32>} : memref<4x128xi32, #tpu.memory_space<vmem>>, vector<1x16xi32>,
    %swap3A_41 = vector.shape_cast %swap3A_40 : vector<1x16xi32> to vector<16xi32>
    %swap3A_42 = vector.shape_cast %get3A_36 : vector<16xi32> to vector<1x16xi32>
    tpu.vector_store %arg10[%swap3A_38, %swap3A_39], %swap3A_42 {strides = array<i32>} : memref<4x128xi32, #tpu.memory_space<vmem>>, vector<1x16xi32>,
    %get3A_43 = arith.constant 48 : index
    %get3A_44 = tpu.vector_load %arg9[%get3A_43] {strides = array<i32>} : memref<512xi32, #tpu.memory_space<vmem>>, vector<16xi32>,
    %get3A_45 = vector.shape_cast %get3A_44 : vector<16xi32> to vector<16xi32>
    %swap3A_46 = arith.constant 0 : i32
    %swap3A_47 = arith.index_cast %swap3A_46 : i32 to index
    %swap3A_48 = arith.constant 48 : index
    %swap3A_49 = tpu.vector_load %arg10[%swap3A_47, %swap3A_48] {strides = array<i32>} : memref<4x128xi32, #tpu.memory_space<vmem>>, vector<1x16xi32>,
    %swap3A_50 = vector.shape_cast %swap3A_49 : vector<1x16xi32> to vector<16xi32>
    %swap3A_51 = vector.shape_cast %get3A_45 : vector<16xi32> to vector<1x16xi32>
    tpu.vector_store %arg10[%swap3A_47, %swap3A_48], %swap3A_51 {strides = array<i32>} : memref<4x128xi32, #tpu.memory_space<vmem>>, vector<1x16xi32>,
    %get3A_52 = arith.constant 64 : index
    %get3A_53 = tpu.vector_load %arg9[%get3A_52] {strides = array<i32>} : memref<512xi32, #tpu.memory_space<vmem>>, vector<16xi32>,
    %get3A_54 = vector.shape_cast %get3A_53 : vector<16xi32> to vector<16xi32>
    %swap3A_55 = arith.constant 0 : i32
    %swap3A_56 = arith.index_cast %swap3A_55 : i32 to index
    %swap3A_57 = arith.constant 64 : index
    %swap3A_58 = tpu.vector_load %arg10[%swap3A_56, %swap3A_57] {strides = array<i32>} : memref<4x128xi32, #tpu.memory_space<vmem>>, vector<1x16xi32>,
    %swap3A_59 = vector.shape_cast %swap3A_58 : vector<1x16xi32> to vector<16xi32>
    %swap3A_60 = vector.shape_cast %get3A_54 : vector<16xi32> to vector<1x16xi32>
    tpu.vector_store %arg10[%swap3A_56, %swap3A_57], %swap3A_60 {strides = array<i32>} : memref<4x128xi32, #tpu.memory_space<vmem>>, vector<1x16xi32>,
    %get3A_61 = arith.constant 80 : index
    %get3A_62 = tpu.vector_load %arg9[%get3A_61] {strides = array<i32>} : memref<512xi32, #tpu.memory_space<vmem>>, vector<16xi32>,
    %get3A_63 = vector.shape_cast %get3A_62 : vector<16xi32> to vector<16xi32>
    %swap3A_64 = arith.constant 0 : i32
    %swap3A_65 = arith.index_cast %swap3A_64 : i32 to index
    %swap3A_66 = arith.constant 80 : index
    %swap3A_67 = tpu.vector_load %arg10[%swap3A_65, %swap3A_66] {strides = array<i32>} : memref<4x128xi32, #tpu.memory_space<vmem>>, vector<1x16xi32>,
    %swap3A_68 = vector.shape_cast %swap3A_67 : vector<1x16xi32> to vector<16xi32>
    %swap3A_69 = vector.shape_cast %get3A_63 : vector<16xi32> to vector<1x16xi32>
    tpu.vector_store %arg10[%swap3A_65, %swap3A_66], %swap3A_69 {strides = array<i32>} : memref<4x128xi32, #tpu.memory_space<vmem>>, vector<1x16xi32>,
    %get3A_70 = arith.constant 96 : index
    %get3A_71 = tpu.vector_load %arg9[%get3A_70] {strides = array<i32>} : memref<512xi32, #tpu.memory_space<vmem>>, vector<16xi32>,
    %get3A_72 = vector.shape_cast %get3A_71 : vector<16xi32> to vector<16xi32>
    %swap3A_73 = arith.constant 0 : i32
    %swap3A_74 = arith.index_cast %swap3A_73 : i32 to index
    %swap3A_75 = arith.constant 96 : index
    %swap3A_76 = tpu.vector_load %arg10[%swap3A_74, %swap3A_75] {strides = array<i32>} : memref<4x128xi32, #tpu.memory_space<vmem>>, vector<1x16xi32>,
    %swap3A_77 = vector.shape_cast %swap3A_76 : vector<1x16xi32> to vector<16xi32>
    %swap3A_78 = vector.shape_cast %get3A_72 : vector<16xi32> to vector<1x16xi32>
    tpu.vector_store %arg10[%swap3A_74, %swap3A_75], %swap3A_78 {strides = array<i32>} : memref<4x128xi32, #tpu.memory_space<vmem>>, vector<1x16xi32>,
    %get3A_79 = arith.constant 112 : index
    %get3A_80 = tpu.vector_load %arg9[%get3A_79] {strides = array<i32>} : memref<512xi32, #tpu.memory_space<vmem>>, vector<16xi32>,
    %get3A_81 = vector.shape_cast %get3A_80 : vector<16xi32> to vector<16xi32>
    %swap3A_82 = arith.constant 0 : i32
    %swap3A_83 = arith.index_cast %swap3A_82 : i32 to index
    %swap3A_84 = arith.constant 112 : index
    %swap3A_85 = tpu.vector_load %arg10[%swap3A_83, %swap3A_84] {strides = array<i32>} : memref<4x128xi32, #tpu.memory_space<vmem>>, vector<1x16xi32>,
    %swap3A_86 = vector.shape_cast %swap3A_85 : vector<1x16xi32> to vector<16xi32>
    %swap3A_87 = vector.shape_cast %get3A_81 : vector<16xi32> to vector<1x16xi32>
    tpu.vector_store %arg10[%swap3A_83, %swap3A_84], %swap3A_87 {strides = array<i32>} : memref<4x128xi32, #tpu.memory_space<vmem>>, vector<1x16xi32>,
    %get3A_88 = arith.constant 128 : index
    %get3A_89 = tpu.vector_load %arg9[%get3A_88] {strides = array<i32>} : memref<512xi32, #tpu.memory_space<vmem>>, vector<16xi32>,
    %get3A_90 = vector.shape_cast %get3A_89 : vector<16xi32> to vector<16xi32>
    %swap3A_91 = arith.constant 1 : i32
    %swap3A_92 = arith.index_cast %swap3A_91 : i32 to index
    %swap3A_93 = arith.constant 0 : index
    %swap3A_94 = tpu.vector_load %arg10[%swap3A_92, %swap3A_93] {strides = array<i32>} : memref<4x128xi32, #tpu.memory_space<vmem>>, vector<1x16xi32>,
    %swap3A_95 = vector.shape_cast %swap3A_94 : vector<1x16xi32> to vector<16xi32>
    %swap3A_96 = vector.shape_cast %get3A_90 : vector<16xi32> to vector<1x16xi32>
    tpu.vector_store %arg10[%swap3A_92, %swap3A_93], %swap3A_96 {strides = array<i32>} : memref<4x128xi32, #tpu.memory_space<vmem>>, vector<1x16xi32>,
    %get3A_97 = arith.constant 144 : index
    %get3A_98 = tpu.vector_load %arg9[%get3A_97] {strides = array<i32>} : memref<512xi32, #tpu.memory_space<vmem>>, vector<16xi32>,
    %get3A_99 = vector.shape_cast %get3A_98 : vector<16xi32> to vector<16xi32>
    %swap3A_100 = arith.constant 1 : i32
    %swap3A_101 = arith.index_cast %swap3A_100 : i32 to index
    %swap3A_102 = arith.constant 16 : index
    %swap3A_103 = tpu.vector_load %arg10[%swap3A_101, %swap3A_102] {strides = array<i32>} : memref<4x128xi32, #tpu.memory_space<vmem>>, vector<1x16xi32>,
    %swap3A_104 = vector.shape_cast %swap3A_103 : vector<1x16xi32> to vector<16xi32>
    %swap3A_105 = vector.shape_cast %get3A_99 : vector<16xi32> to vector<1x16xi32>
    tpu.vector_store %arg10[%swap3A_101, %swap3A_102], %swap3A_105 {strides = array<i32>} : memref<4x128xi32, #tpu.memory_space<vmem>>, vector<1x16xi32>,
    %get3A_106 = arith.constant 160 : index
    %get3A_107 = tpu.vector_load %arg9[%get3A_106] {strides = array<i32>} : memref<512xi32, #tpu.memory_space<vmem>>, vector<16xi32>,
    %get3A_108 = vector.shape_cast %get3A_107 : vector<16xi32> to vector<16xi32>
    %swap3A_109 = arith.constant 1 : i32
    %swap3A_110 = arith.index_cast %swap3A_109 : i32 to index
    %swap3A_111 = arith.constant 32 : index
    %swap3A_112 = tpu.vector_load %arg10[%swap3A_110, %swap3A_111] {strides = array<i32>} : memref<4x128xi32, #tpu.memory_space<vmem>>, vector<1x16xi32>,
    %swap3A_113 = vector.shape_cast %swap3A_112 : vector<1x16xi32> to vector<16xi32>
    %swap3A_114 = vector.shape_cast %get3A_108 : vector<16xi32> to vector<1x16xi32>
    tpu.vector_store %arg10[%swap3A_110, %swap3A_111], %swap3A_114 {strides = array<i32>} : memref<4x128xi32, #tpu.memory_space<vmem>>, vector<1x16xi32>,
    %get3A_115 = arith.constant 176 : index
    %get3A_116 = tpu.vector_load %arg9[%get3A_115] {strides = array<i32>} : memref<512xi32, #tpu.memory_space<vmem>>, vector<16xi32>,
    %get3A_117 = vector.shape_cast %get3A_116 : vector<16xi32> to vector<16xi32>
    %swap3A_118 = arith.constant 1 : i32
    %swap3A_119 = arith.index_cast %swap3A_118 : i32 to index
    %swap3A_120 = arith.constant 48 : index
    %swap3A_121 = tpu.vector_load %arg10[%swap3A_119, %swap3A_120] {strides = array<i32>} : memref<4x128xi32, #tpu.memory_space<vmem>>, vector<1x16xi32>,
    %swap3A_122 = vector.shape_cast %swap3A_121 : vector<1x16xi32> to vector<16xi32>
    %swap3A_123 = vector.shape_cast %get3A_117 : vector<16xi32> to vector<1x16xi32>
    tpu.vector_store %arg10[%swap3A_119, %swap3A_120], %swap3A_123 {strides = array<i32>} : memref<4x128xi32, #tpu.memory_space<vmem>>, vector<1x16xi32>,
    %get3A_124 = arith.constant 192 : index
    %get3A_125 = tpu.vector_load %arg9[%get3A_124] {strides = array<i32>} : memref<512xi32, #tpu.memory_space<vmem>>, vector<16xi32>,
    %get3A_126 = vector.shape_cast %get3A_125 : vector<16xi32> to vector<16xi32>
    %swap3A_127 = arith.constant 1 : i32
    %swap3A_128 = arith.index_cast %swap3A_127 : i32 to index
    %swap3A_129 = arith.constant 64 : index
    %swap3A_130 = tpu.vector_load %arg10[%swap3A_128, %swap3A_129] {strides = array<i32>} : memref<4x128xi32, #tpu.memory_space<vmem>>, vector<1x16xi32>,
    %swap3A_131 = vector.shape_cast %swap3A_130 : vector<1x16xi32> to vector<16xi32>
    %swap3A_132 = vector.shape_cast %get3A_126 : vector<16xi32> to vector<1x16xi32>
    tpu.vector_store %arg10[%swap3A_128, %swap3A_129], %swap3A_132 {strides = array<i32>} : memref<4x128xi32, #tpu.memory_space<vmem>>, vector<1x16xi32>,
    %get3A_133 = arith.constant 208 : index
    %get3A_134 = tpu.vector_load %arg9[%get3A_133] {strides = array<i32>} : memref<512xi32, #tpu.memory_space<vmem>>, vector<16xi32>,
    %get3A_135 = vector.shape_cast %get3A_134 : vector<16xi32> to vector<16xi32>
    %swap3A_136 = arith.constant 1 : i32
    %swap3A_137 = arith.index_cast %swap3A_136 : i32 to index
    %swap3A_138 = arith.constant 80 : index
    %swap3A_139 = tpu.vector_load %arg10[%swap3A_137, %swap3A_138] {strides = array<i32>} : memref<4x128xi32, #tpu.memory_space<vmem>>, vector<1x16xi32>,
    %swap3A_140 = vector.shape_cast %swap3A_139 : vector<1x16xi32> to vector<16xi32>
    %swap3A_141 = vector.shape_cast %get3A_135 : vector<16xi32> to vector<1x16xi32>
    tpu.vector_store %arg10[%swap3A_137, %swap3A_138], %swap3A_141 {strides = array<i32>} : memref<4x128xi32, #tpu.memory_space<vmem>>, vector<1x16xi32>,
    %get3A_142 = arith.constant 224 : index
    %get3A_143 = tpu.vector_load %arg9[%get3A_142] {strides = array<i32>} : memref<512xi32, #tpu.memory_space<vmem>>, vector<16xi32>,
    %get3A_144 = vector.shape_cast %get3A_143 : vector<16xi32> to vector<16xi32>
    %swap3A_145 = arith.constant 1 : i32
    %swap3A_146 = arith.index_cast %swap3A_145 : i32 to index
    %swap3A_147 = arith.constant 96 : index
    %swap3A_148 = tpu.vector_load %arg10[%swap3A_146, %swap3A_147] {strides = array<i32>} : memref<4x128xi32, #tpu.memory_space<vmem>>, vector<1x16xi32>,
    %swap3A_149 = vector.shape_cast %swap3A_148 : vector<1x16xi32> to vector<16xi32>
    %swap3A_150 = vector.shape_cast %get3A_144 : vector<16xi32> to vector<1x16xi32>
    tpu.vector_store %arg10[%swap3A_146, %swap3A_147], %swap3A_150 {strides = array<i32>} : memref<4x128xi32, #tpu.memory_space<vmem>>, vector<1x16xi32>,
    %get3A_151 = arith.constant 240 : index
    %get3A_152 = tpu.vector_load %arg9[%get3A_151] {strides = array<i32>} : memref<512xi32, #tpu.memory_space<vmem>>, vector<16xi32>,
    %get3A_153 = vector.shape_cast %get3A_152 : vector<16xi32> to vector<16xi32>
    %swap3A_154 = arith.constant 1 : i32
    %swap3A_155 = arith.index_cast %swap3A_154 : i32 to index
    %swap3A_156 = arith.constant 112 : index
    %swap3A_157 = tpu.vector_load %arg10[%swap3A_155, %swap3A_156] {strides = array<i32>} : memref<4x128xi32, #tpu.memory_space<vmem>>, vector<1x16xi32>,
    %swap3A_158 = vector.shape_cast %swap3A_157 : vector<1x16xi32> to vector<16xi32>
    %swap3A_159 = vector.shape_cast %get3A_153 : vector<16xi32> to vector<1x16xi32>
    tpu.vector_store %arg10[%swap3A_155, %swap3A_156], %swap3A_159 {strides = array<i32>} : memref<4x128xi32, #tpu.memory_space<vmem>>, vector<1x16xi32>,
    %get3A_160 = arith.constant 256 : index
    %get3A_161 = tpu.vector_load %arg9[%get3A_160] {strides = array<i32>} : memref<512xi32, #tpu.memory_space<vmem>>, vector<16xi32>,
    %get3A_162 = vector.shape_cast %get3A_161 : vector<16xi32> to vector<16xi32>
    %swap3A_163 = arith.constant 2 : i32
    %swap3A_164 = arith.index_cast %swap3A_163 : i32 to index
    %swap3A_165 = arith.constant 0 : index
    %swap3A_166 = tpu.vector_load %arg10[%swap3A_164, %swap3A_165] {strides = array<i32>} : memref<4x128xi32, #tpu.memory_space<vmem>>, vector<1x16xi32>,
    %swap3A_167 = vector.shape_cast %swap3A_166 : vector<1x16xi32> to vector<16xi32>
    %swap3A_168 = vector.shape_cast %get3A_162 : vector<16xi32> to vector<1x16xi32>
    tpu.vector_store %arg10[%swap3A_164, %swap3A_165], %swap3A_168 {strides = array<i32>} : memref<4x128xi32, #tpu.memory_space<vmem>>, vector<1x16xi32>,
    %get3A_169 = arith.constant 272 : index
    %get3A_170 = tpu.vector_load %arg9[%get3A_169] {strides = array<i32>} : memref<512xi32, #tpu.memory_space<vmem>>, vector<16xi32>,
    %get3A_171 = vector.shape_cast %get3A_170 : vector<16xi32> to vector<16xi32>
    %swap3A_172 = arith.constant 2 : i32
    %swap3A_173 = arith.index_cast %swap3A_172 : i32 to index
    %swap3A_174 = arith.constant 16 : index
    %swap3A_175 = tpu.vector_load %arg10[%swap3A_173, %swap3A_174] {strides = array<i32>} : memref<4x128xi32, #tpu.memory_space<vmem>>, vector<1x16xi32>,
    %swap3A_176 = vector.shape_cast %swap3A_175 : vector<1x16xi32> to vector<16xi32>
    %swap3A_177 = vector.shape_cast %get3A_171 : vector<16xi32> to vector<1x16xi32>
    tpu.vector_store %arg10[%swap3A_173, %swap3A_174], %swap3A_177 {strides = array<i32>} : memref<4x128xi32, #tpu.memory_space<vmem>>, vector<1x16xi32>,
    %get3A_178 = arith.constant 288 : index
    %get3A_179 = tpu.vector_load %arg9[%get3A_178] {strides = array<i32>} : memref<512xi32, #tpu.memory_space<vmem>>, vector<16xi32>,
    %get3A_180 = vector.shape_cast %get3A_179 : vector<16xi32> to vector<16xi32>
    %swap3A_181 = arith.constant 2 : i32
    %swap3A_182 = arith.index_cast %swap3A_181 : i32 to index
    %swap3A_183 = arith.constant 32 : index
    %swap3A_184 = tpu.vector_load %arg10[%swap3A_182, %swap3A_183] {strides = array<i32>} : memref<4x128xi32, #tpu.memory_space<vmem>>, vector<1x16xi32>,
    %swap3A_185 = vector.shape_cast %swap3A_184 : vector<1x16xi32> to vector<16xi32>
    %swap3A_186 = vector.shape_cast %get3A_180 : vector<16xi32> to vector<1x16xi32>
    tpu.vector_store %arg10[%swap3A_182, %swap3A_183], %swap3A_186 {strides = array<i32>} : memref<4x128xi32, #tpu.memory_space<vmem>>, vector<1x16xi32>,
    %get3A_187 = arith.constant 304 : index
    %get3A_188 = tpu.vector_load %arg9[%get3A_187] {strides = array<i32>} : memref<512xi32, #tpu.memory_space<vmem>>, vector<16xi32>,
    %get3A_189 = vector.shape_cast %get3A_188 : vector<16xi32> to vector<16xi32>
    %swap3A_190 = arith.constant 2 : i32
    %swap3A_191 = arith.index_cast %swap3A_190 : i32 to index
    %swap3A_192 = arith.constant 48 : index
    %swap3A_193 = tpu.vector_load %arg10[%swap3A_191, %swap3A_192] {strides = array<i32>} : memref<4x128xi32, #tpu.memory_space<vmem>>, vector<1x16xi32>,
    %swap3A_194 = vector.shape_cast %swap3A_193 : vector<1x16xi32> to vector<16xi32>
    %swap3A_195 = vector.shape_cast %get3A_189 : vector<16xi32> to vector<1x16xi32>
    tpu.vector_store %arg10[%swap3A_191, %swap3A_192], %swap3A_195 {strides = array<i32>} : memref<4x128xi32, #tpu.memory_space<vmem>>, vector<1x16xi32>,
    %get3A_196 = arith.constant 320 : index
    %get3A_197 = tpu.vector_load %arg9[%get3A_196] {strides = array<i32>} : memref<512xi32, #tpu.memory_space<vmem>>, vector<16xi32>,
    %get3A_198 = vector.shape_cast %get3A_197 : vector<16xi32> to vector<16xi32>
    %swap3A_199 = arith.constant 2 : i32
    %swap3A_200 = arith.index_cast %swap3A_199 : i32 to index
    %swap3A_201 = arith.constant 64 : index
    %swap3A_202 = tpu.vector_load %arg10[%swap3A_200, %swap3A_201] {strides = array<i32>} : memref<4x128xi32, #tpu.memory_space<vmem>>, vector<1x16xi32>,
    %swap3A_203 = vector.shape_cast %swap3A_202 : vector<1x16xi32> to vector<16xi32>
    %swap3A_204 = vector.shape_cast %get3A_198 : vector<16xi32> to vector<1x16xi32>
    tpu.vector_store %arg10[%swap3A_200, %swap3A_201], %swap3A_204 {strides = array<i32>} : memref<4x128xi32, #tpu.memory_space<vmem>>, vector<1x16xi32>,
    %get3A_205 = arith.constant 336 : index
    %get3A_206 = tpu.vector_load %arg9[%get3A_205] {strides = array<i32>} : memref<512xi32, #tpu.memory_space<vmem>>, vector<16xi32>,
    %get3A_207 = vector.shape_cast %get3A_206 : vector<16xi32> to vector<16xi32>
    %swap3A_208 = arith.constant 2 : i32
    %swap3A_209 = arith.index_cast %swap3A_208 : i32 to index
    %swap3A_210 = arith.constant 80 : index
    %swap3A_211 = tpu.vector_load %arg10[%swap3A_209, %swap3A_210] {strides = array<i32>} : memref<4x128xi32, #tpu.memory_space<vmem>>, vector<1x16xi32>,
    %swap3A_212 = vector.shape_cast %swap3A_211 : vector<1x16xi32> to vector<16xi32>
    %swap3A_213 = vector.shape_cast %get3A_207 : vector<16xi32> to vector<1x16xi32>
    tpu.vector_store %arg10[%swap3A_209, %swap3A_210], %swap3A_213 {strides = array<i32>} : memref<4x128xi32, #tpu.memory_space<vmem>>, vector<1x16xi32>,
    %get3A_214 = arith.constant 352 : index
    %get3A_215 = tpu.vector_load %arg9[%get3A_214] {strides = array<i32>} : memref<512xi32, #tpu.memory_space<vmem>>, vector<16xi32>,
    %get3A_216 = vector.shape_cast %get3A_215 : vector<16xi32> to vector<16xi32>
    %swap3A_217 = arith.constant 2 : i32
    %swap3A_218 = arith.index_cast %swap3A_217 : i32 to index
    %swap3A_219 = arith.constant 96 : index
    %swap3A_220 = tpu.vector_load %arg10[%swap3A_218, %swap3A_219] {strides = array<i32>} : memref<4x128xi32, #tpu.memory_space<vmem>>, vector<1x16xi32>,
    %swap3A_221 = vector.shape_cast %swap3A_220 : vector<1x16xi32> to vector<16xi32>
    %swap3A_222 = vector.shape_cast %get3A_216 : vector<16xi32> to vector<1x16xi32>
    tpu.vector_store %arg10[%swap3A_218, %swap3A_219], %swap3A_222 {strides = array<i32>} : memref<4x128xi32, #tpu.memory_space<vmem>>, vector<1x16xi32>,
    %get3A_223 = arith.constant 368 : index
    %get3A_224 = tpu.vector_load %arg9[%get3A_223] {strides = array<i32>} : memref<512xi32, #tpu.memory_space<vmem>>, vector<16xi32>,
    %get3A_225 = vector.shape_cast %get3A_224 : vector<16xi32> to vector<16xi32>
    %swap3A_226 = arith.constant 2 : i32
    %swap3A_227 = arith.index_cast %swap3A_226 : i32 to index
    %swap3A_228 = arith.constant 112 : index
    %swap3A_229 = tpu.vector_load %arg10[%swap3A_227, %swap3A_228] {strides = array<i32>} : memref<4x128xi32, #tpu.memory_space<vmem>>, vector<1x16xi32>,
    %swap3A_230 = vector.shape_cast %swap3A_229 : vector<1x16xi32> to vector<16xi32>
    %swap3A_231 = vector.shape_cast %get3A_225 : vector<16xi32> to vector<1x16xi32>
    tpu.vector_store %arg10[%swap3A_227, %swap3A_228], %swap3A_231 {strides = array<i32>} : memref<4x128xi32, #tpu.memory_space<vmem>>, vector<1x16xi32>,
    %get3A_232 = arith.constant 384 : index
    %get3A_233 = tpu.vector_load %arg9[%get3A_232] {strides = array<i32>} : memref<512xi32, #tpu.memory_space<vmem>>, vector<16xi32>,
    %get3A_234 = vector.shape_cast %get3A_233 : vector<16xi32> to vector<16xi32>
    %swap3A_235 = arith.constant 3 : i32
    %swap3A_236 = arith.index_cast %swap3A_235 : i32 to index
    %swap3A_237 = arith.constant 0 : index
    %swap3A_238 = tpu.vector_load %arg10[%swap3A_236, %swap3A_237] {strides = array<i32>} : memref<4x128xi32, #tpu.memory_space<vmem>>, vector<1x16xi32>,
    %swap3A_239 = vector.shape_cast %swap3A_238 : vector<1x16xi32> to vector<16xi32>
    %swap3A_240 = vector.shape_cast %get3A_234 : vector<16xi32> to vector<1x16xi32>
    tpu.vector_store %arg10[%swap3A_236, %swap3A_237], %swap3A_240 {strides = array<i32>} : memref<4x128xi32, #tpu.memory_space<vmem>>, vector<1x16xi32>,
    %get3A_241 = arith.constant 400 : index
    %get3A_242 = tpu.vector_load %arg9[%get3A_241] {strides = array<i32>} : memref<512xi32, #tpu.memory_space<vmem>>, vector<16xi32>,
    %get3A_243 = vector.shape_cast %get3A_242 : vector<16xi32> to vector<16xi32>
    %swap3A_244 = arith.constant 3 : i32
    %swap3A_245 = arith.index_cast %swap3A_244 : i32 to index
    %swap3A_246 = arith.constant 16 : index
    %swap3A_247 = tpu.vector_load %arg10[%swap3A_245, %swap3A_246] {strides = array<i32>} : memref<4x128xi32, #tpu.memory_space<vmem>>, vector<1x16xi32>,
    %swap3A_248 = vector.shape_cast %swap3A_247 : vector<1x16xi32> to vector<16xi32>
    %swap3A_249 = vector.shape_cast %get3A_243 : vector<16xi32> to vector<1x16xi32>
    tpu.vector_store %arg10[%swap3A_245, %swap3A_246], %swap3A_249 {strides = array<i32>} : memref<4x128xi32, #tpu.memory_space<vmem>>, vector<1x16xi32>,
    %get3A_250 = arith.constant 416 : index
    %get3A_251 = tpu.vector_load %arg9[%get3A_250] {strides = array<i32>} : memref<512xi32, #tpu.memory_space<vmem>>, vector<16xi32>,
    %get3A_252 = vector.shape_cast %get3A_251 : vector<16xi32> to vector<16xi32>
    %swap3A_253 = arith.constant 3 : i32
    %swap3A_254 = arith.index_cast %swap3A_253 : i32 to index
    %swap3A_255 = arith.constant 32 : index
    %swap3A_256 = tpu.vector_load %arg10[%swap3A_254, %swap3A_255] {strides = array<i32>} : memref<4x128xi32, #tpu.memory_space<vmem>>, vector<1x16xi32>,
    %swap3A_257 = vector.shape_cast %swap3A_256 : vector<1x16xi32> to vector<16xi32>
    %swap3A_258 = vector.shape_cast %get3A_252 : vector<16xi32> to vector<1x16xi32>
    tpu.vector_store %arg10[%swap3A_254, %swap3A_255], %swap3A_258 {strides = array<i32>} : memref<4x128xi32, #tpu.memory_space<vmem>>, vector<1x16xi32>,
    %get3A_259 = arith.constant 432 : index
    %get3A_260 = tpu.vector_load %arg9[%get3A_259] {strides = array<i32>} : memref<512xi32, #tpu.memory_space<vmem>>, vector<16xi32>,
    %get3A_261 = vector.shape_cast %get3A_260 : vector<16xi32> to vector<16xi32>
    %swap3A_262 = arith.constant 3 : i32
    %swap3A_263 = arith.index_cast %swap3A_262 : i32 to index
    %swap3A_264 = arith.constant 48 : index
    %swap3A_265 = tpu.vector_load %arg10[%swap3A_263, %swap3A_264] {strides = array<i32>} : memref<4x128xi32, #tpu.memory_space<vmem>>, vector<1x16xi32>,
    %swap3A_266 = vector.shape_cast %swap3A_265 : vector<1x16xi32> to vector<16xi32>
    %swap3A_267 = vector.shape_cast %get3A_261 : vector<16xi32> to vector<1x16xi32>
    tpu.vector_store %arg10[%swap3A_263, %swap3A_264], %swap3A_267 {strides = array<i32>} : memref<4x128xi32, #tpu.memory_space<vmem>>, vector<1x16xi32>,
    %get3A_268 = arith.constant 448 : index
    %get3A_269 = tpu.vector_load %arg9[%get3A_268] {strides = array<i32>} : memref<512xi32, #tpu.memory_space<vmem>>, vector<16xi32>,
    %get3A_270 = vector.shape_cast %get3A_269 : vector<16xi32> to vector<16xi32>
    %swap3A_271 = arith.constant 3 : i32
    %swap3A_272 = arith.index_cast %swap3A_271 : i32 to index
    %swap3A_273 = arith.constant 64 : index
    %swap3A_274 = tpu.vector_load %arg10[%swap3A_272, %swap3A_273] {strides = array<i32>} : memref<4x128xi32, #tpu.memory_space<vmem>>, vector<1x16xi32>,
    %swap3A_275 = vector.shape_cast %swap3A_274 : vector<1x16xi32> to vector<16xi32>
    %swap3A_276 = vector.shape_cast %get3A_270 : vector<16xi32> to vector<1x16xi32>
    tpu.vector_store %arg10[%swap3A_272, %swap3A_273], %swap3A_276 {strides = array<i32>} : memref<4x128xi32, #tpu.memory_space<vmem>>, vector<1x16xi32>,
    %get3A_277 = arith.constant 464 : index
    %get3A_278 = tpu.vector_load %arg9[%get3A_277] {strides = array<i32>} : memref<512xi32, #tpu.memory_space<vmem>>, vector<16xi32>,
    %get3A_279 = vector.shape_cast %get3A_278 : vector<16xi32> to vector<16xi32>
    %swap3A_280 = arith.constant 3 : i32
    %swap3A_281 = arith.index_cast %swap3A_280 : i32 to index
    %swap3A_282 = arith.constant 80 : index
    %swap3A_283 = tpu.vector_load %arg10[%swap3A_281, %swap3A_282] {strides = array<i32>} : memref<4x128xi32, #tpu.memory_space<vmem>>, vector<1x16xi32>,
    %swap3A_284 = vector.shape_cast %swap3A_283 : vector<1x16xi32> to vector<16xi32>
    %swap3A_285 = vector.shape_cast %get3A_279 : vector<16xi32> to vector<1x16xi32>
    tpu.vector_store %arg10[%swap3A_281, %swap3A_282], %swap3A_285 {strides = array<i32>} : memref<4x128xi32, #tpu.memory_space<vmem>>, vector<1x16xi32>,
    %get3A_286 = arith.constant 480 : index
    %get3A_287 = tpu.vector_load %arg9[%get3A_286] {strides = array<i32>} : memref<512xi32, #tpu.memory_space<vmem>>, vector<16xi32>,
    %get3A_288 = vector.shape_cast %get3A_287 : vector<16xi32> to vector<16xi32>
    %swap3A_289 = arith.constant 3 : i32
    %swap3A_290 = arith.index_cast %swap3A_289 : i32 to index
    %swap3A_291 = arith.constant 96 : index
    %swap3A_292 = tpu.vector_load %arg10[%swap3A_290, %swap3A_291] {strides = array<i32>} : memref<4x128xi32, #tpu.memory_space<vmem>>, vector<1x16xi32>,
    %swap3A_293 = vector.shape_cast %swap3A_292 : vector<1x16xi32> to vector<16xi32>
    %swap3A_294 = vector.shape_cast %get3A_288 : vector<16xi32> to vector<1x16xi32>
    tpu.vector_store %arg10[%swap3A_290, %swap3A_291], %swap3A_294 {strides = array<i32>} : memref<4x128xi32, #tpu.memory_space<vmem>>, vector<1x16xi32>,
    %get3A_295 = arith.constant 496 : index
    %get3A_296 = tpu.vector_load %arg9[%get3A_295] {strides = array<i32>} : memref<512xi32, #tpu.memory_space<vmem>>, vector<16xi32>,
    %get3A_297 = vector.shape_cast %get3A_296 : vector<16xi32> to vector<16xi32>
    %swap3A_298 = arith.constant 3 : i32
    %swap3A_299 = arith.index_cast %swap3A_298 : i32 to index
    %swap3A_300 = arith.constant 112 : index
    %swap3A_301 = tpu.vector_load %arg10[%swap3A_299, %swap3A_300] {strides = array<i32>} : memref<4x128xi32, #tpu.memory_space<vmem>>, vector<1x16xi32>,
    %swap3A_302 = vector.shape_cast %swap3A_301 : vector<1x16xi32> to vector<16xi32>
    %swap3A_303 = vector.shape_cast %get3A_297 : vector<16xi32> to vector<1x16xi32>
    tpu.vector_store %arg10[%swap3A_299, %swap3A_300], %swap3A_303 {strides = array<i32>} : memref<4x128xi32, #tpu.memory_space<vmem>>, vector<1x16xi32>,
    %barrier3A = arith.constant 0 : index
    tpu.barrier barrier_id(%barrier3A)
    %run_scoped3A = arith.constant 0 : i32
    "tpu.region"() ({
      %run_scoped3A_331 = tpu.sem_alloc : memref<!tpu.dma_semaphore, #tpu.memory_space<semaphore_mem>>
      %dma_start3A_332 = arith.constant 0 : i32
      %dma_start3A_333 = arith.constant 0 : i32
      %dma_start3A_334 = tpu.memref_slice %arg11[%dma_start3A_332, %dma_start3A_333] : memref<512x32xf32, #tpu.memory_space<vmem>> -> memref<128x32xf32, #tpu.memory_space<vmem>>
      %dma_start3A_335 = arith.constant 0 : i32
      %dma_start3A_336 = tpu.memref_slice %arg10[%run_scoped3A, %dma_start3A_335] : memref<4x128xi32, #tpu.memory_space<vmem>> -> memref<1x128xi32, #tpu.memory_space<vmem>>
      %dma_start3A_337 = tpu.memref_squeeze %dma_start3A_336 : memref<1x128xi32, #tpu.memory_space<vmem>> -> memref<128xi32, #tpu.memory_space<vmem>>
      %dma_start3A_338 = arith.constant 0 : i32
      %dma_start3A_339 = arith.constant 0 : i32
      %dma_start3A_340 = tpu.memref_slice %arg7[%dma_start3A_338, %dma_start3A_339] : memref<8192x32xf32, #tpu.memory_space<vmem_shared>> -> memref<8192x32xf32, #tpu.memory_space<vmem_shared>>
      tpu.enqueue_indirect_dma source(%dma_start3A_334 : memref<128x32xf32, #tpu.memory_space<vmem>>) target(%dma_start3A_340 : memref<8192x32xf32, #tpu.memory_space<vmem_shared>>) offsets(%dma_start3A_337 : memref<128xi32, #tpu.memory_space<vmem>>) semaphore(%run_scoped3A_331 : memref<!tpu.dma_semaphore, #tpu.memory_space<semaphore_mem>>) {add = true}
      %dma_wait3A_341 = arith.constant 0 : i32
      %dma_wait3A_342 = arith.constant 0 : i32
      %dma_wait3A_343 = tpu.memref_slice %arg11[%dma_wait3A_341, %dma_wait3A_342] : memref<512x32xf32, #tpu.memory_space<vmem>> -> memref<128x32xf32, #tpu.memory_space<vmem>>
      %dma_wait3A_344 = arith.constant 0 : i32
      %dma_wait3A_345 = tpu.memref_slice %arg10[%run_scoped3A, %dma_wait3A_344] : memref<4x128xi32, #tpu.memory_space<vmem>> -> memref<1x128xi32, #tpu.memory_space<vmem>>
      %dma_wait3A_346 = tpu.memref_squeeze %dma_wait3A_345 : memref<1x128xi32, #tpu.memory_space<vmem>> -> memref<128xi32, #tpu.memory_space<vmem>>
      %dma_wait3A_347 = arith.constant 0 : i32
      %dma_wait3A_348 = arith.constant 0 : i32
      %dma_wait3A_349 = tpu.memref_slice %arg7[%dma_wait3A_347, %dma_wait3A_348] : memref<8192x32xf32, #tpu.memory_space<vmem_shared>> -> memref<8192x32xf32, #tpu.memory_space<vmem_shared>>
      tpu.wait_indirect_dma semaphore(%run_scoped3A_331 : memref<!tpu.dma_semaphore, #tpu.memory_space<semaphore_mem>>) src(%dma_wait3A_343 : memref<128x32xf32, #tpu.memory_space<vmem>>) dst(%dma_wait3A_349 : memref<8192x32xf32, #tpu.memory_space<vmem_shared>>)
      tpu.yield
    }) : () -> ()
    %run_scoped3A_304 = arith.constant 0 : i32
    "tpu.region"() ({
      %run_scoped3A_331 = tpu.sem_alloc : memref<!tpu.dma_semaphore, #tpu.memory_space<semaphore_mem>>
      %dma_start3A_332 = arith.constant 0 : i32
      %dma_start3A_333 = tpu.memref_slice %arg10[%run_scoped3A_304, %dma_start3A_332] : memref<4x128xi32, #tpu.memory_space<vmem>> -> memref<1x128xi32, #tpu.memory_space<vmem>>
      %dma_start3A_334 = tpu.memref_squeeze %dma_start3A_333 : memref<1x128xi32, #tpu.memory_space<vmem>> -> memref<128xi32, #tpu.memory_space<vmem>>
      %dma_start3A_335 = arith.constant 0 : i32
      %dma_start3A_336 = arith.constant 0 : i32
      %dma_start3A_337 = tpu.memref_slice %arg8[%dma_start3A_335, %dma_start3A_336] : memref<8192x16xf32, #tpu.memory_space<vmem_shared>> -> memref<8192x16xf32, #tpu.memory_space<vmem_shared>>
      tpu.enqueue_indirect_dma source(%arg13 : memref<128x16xf32, #tpu.memory_space<vmem>>) target(%dma_start3A_337 : memref<8192x16xf32, #tpu.memory_space<vmem_shared>>) offsets(%dma_start3A_334 : memref<128xi32, #tpu.memory_space<vmem>>) semaphore(%run_scoped3A_331 : memref<!tpu.dma_semaphore, #tpu.memory_space<semaphore_mem>>) {add = true}
      %dma_wait3A_338 = arith.constant 0 : i32
      %dma_wait3A_339 = tpu.memref_slice %arg10[%run_scoped3A_304, %dma_wait3A_338] : memref<4x128xi32, #tpu.memory_space<vmem>> -> memref<1x128xi32, #tpu.memory_space<vmem>>
      %dma_wait3A_340 = tpu.memref_squeeze %dma_wait3A_339 : memref<1x128xi32, #tpu.memory_space<vmem>> -> memref<128xi32, #tpu.memory_space<vmem>>
      %dma_wait3A_341 = arith.constant 0 : i32
      %dma_wait3A_342 = arith.constant 0 : i32
      %dma_wait3A_343 = tpu.memref_slice %arg8[%dma_wait3A_341, %dma_wait3A_342] : memref<8192x16xf32, #tpu.memory_space<vmem_shared>> -> memref<8192x16xf32, #tpu.memory_space<vmem_shared>>
      tpu.wait_indirect_dma semaphore(%run_scoped3A_331 : memref<!tpu.dma_semaphore, #tpu.memory_space<semaphore_mem>>) src(%arg13 : memref<128x16xf32, #tpu.memory_space<vmem>>) dst(%dma_wait3A_343 : memref<8192x16xf32, #tpu.memory_space<vmem_shared>>)
      tpu.yield
    }) : () -> ()
    %run_scoped3A_305 = arith.constant 1 : i32
    "tpu.region"() ({
      %run_scoped3A_331 = tpu.sem_alloc : memref<!tpu.dma_semaphore, #tpu.memory_space<semaphore_mem>>
      %dma_start3A_332 = arith.constant 128 : i32
      %dma_start3A_333 = arith.constant 0 : i32
      %dma_start3A_334 = tpu.memref_slice %arg11[%dma_start3A_332, %dma_start3A_333] : memref<512x32xf32, #tpu.memory_space<vmem>> -> memref<128x32xf32, #tpu.memory_space<vmem>>
      %dma_start3A_335 = arith.constant 0 : i32
      %dma_start3A_336 = tpu.memref_slice %arg10[%run_scoped3A_305, %dma_start3A_335] : memref<4x128xi32, #tpu.memory_space<vmem>> -> memref<1x128xi32, #tpu.memory_space<vmem>>
      %dma_start3A_337 = tpu.memref_squeeze %dma_start3A_336 : memref<1x128xi32, #tpu.memory_space<vmem>> -> memref<128xi32, #tpu.memory_space<vmem>>
      %dma_start3A_338 = arith.constant 0 : i32
      %dma_start3A_339 = arith.constant 0 : i32
      %dma_start3A_340 = tpu.memref_slice %arg7[%dma_start3A_338, %dma_start3A_339] : memref<8192x32xf32, #tpu.memory_space<vmem_shared>> -> memref<8192x32xf32, #tpu.memory_space<vmem_shared>>
      tpu.enqueue_indirect_dma source(%dma_start3A_334 : memref<128x32xf32, #tpu.memory_space<vmem>>) target(%dma_start3A_340 : memref<8192x32xf32, #tpu.memory_space<vmem_shared>>) offsets(%dma_start3A_337 : memref<128xi32, #tpu.memory_space<vmem>>) semaphore(%run_scoped3A_331 : memref<!tpu.dma_semaphore, #tpu.memory_space<semaphore_mem>>) {add = true}
      %dma_wait3A_341 = arith.constant 128 : i32
      %dma_wait3A_342 = arith.constant 0 : i32
      %dma_wait3A_343 = tpu.memref_slice %arg11[%dma_wait3A_341, %dma_wait3A_342] : memref<512x32xf32, #tpu.memory_space<vmem>> -> memref<128x32xf32, #tpu.memory_space<vmem>>
      %dma_wait3A_344 = arith.constant 0 : i32
      %dma_wait3A_345 = tpu.memref_slice %arg10[%run_scoped3A_305, %dma_wait3A_344] : memref<4x128xi32, #tpu.memory_space<vmem>> -> memref<1x128xi32, #tpu.memory_space<vmem>>
      %dma_wait3A_346 = tpu.memref_squeeze %dma_wait3A_345 : memref<1x128xi32, #tpu.memory_space<vmem>> -> memref<128xi32, #tpu.memory_space<vmem>>
      %dma_wait3A_347 = arith.constant 0 : i32
      %dma_wait3A_348 = arith.constant 0 : i32
      %dma_wait3A_349 = tpu.memref_slice %arg7[%dma_wait3A_347, %dma_wait3A_348] : memref<8192x32xf32, #tpu.memory_space<vmem_shared>> -> memref<8192x32xf32, #tpu.memory_space<vmem_shared>>
      tpu.wait_indirect_dma semaphore(%run_scoped3A_331 : memref<!tpu.dma_semaphore, #tpu.memory_space<semaphore_mem>>) src(%dma_wait3A_343 : memref<128x32xf32, #tpu.memory_space<vmem>>) dst(%dma_wait3A_349 : memref<8192x32xf32, #tpu.memory_space<vmem_shared>>)
      tpu.yield
    }) : () -> ()
    %run_scoped3A_306 = arith.constant 1 : i32
    "tpu.region"() ({
      %run_scoped3A_331 = tpu.sem_alloc : memref<!tpu.dma_semaphore, #tpu.memory_space<semaphore_mem>>
      %dma_start3A_332 = arith.constant 0 : i32
      %dma_start3A_333 = tpu.memref_slice %arg10[%run_scoped3A_306, %dma_start3A_332] : memref<4x128xi32, #tpu.memory_space<vmem>> -> memref<1x128xi32, #tpu.memory_space<vmem>>
      %dma_start3A_334 = tpu.memref_squeeze %dma_start3A_333 : memref<1x128xi32, #tpu.memory_space<vmem>> -> memref<128xi32, #tpu.memory_space<vmem>>
      %dma_start3A_335 = arith.constant 0 : i32
      %dma_start3A_336 = arith.constant 0 : i32
      %dma_start3A_337 = tpu.memref_slice %arg8[%dma_start3A_335, %dma_start3A_336] : memref<8192x16xf32, #tpu.memory_space<vmem_shared>> -> memref<8192x16xf32, #tpu.memory_space<vmem_shared>>
      tpu.enqueue_indirect_dma source(%arg13 : memref<128x16xf32, #tpu.memory_space<vmem>>) target(%dma_start3A_337 : memref<8192x16xf32, #tpu.memory_space<vmem_shared>>) offsets(%dma_start3A_334 : memref<128xi32, #tpu.memory_space<vmem>>) semaphore(%run_scoped3A_331 : memref<!tpu.dma_semaphore, #tpu.memory_space<semaphore_mem>>) {add = true}
      %dma_wait3A_338 = arith.constant 0 : i32
      %dma_wait3A_339 = tpu.memref_slice %arg10[%run_scoped3A_306, %dma_wait3A_338] : memref<4x128xi32, #tpu.memory_space<vmem>> -> memref<1x128xi32, #tpu.memory_space<vmem>>
      %dma_wait3A_340 = tpu.memref_squeeze %dma_wait3A_339 : memref<1x128xi32, #tpu.memory_space<vmem>> -> memref<128xi32, #tpu.memory_space<vmem>>
      %dma_wait3A_341 = arith.constant 0 : i32
      %dma_wait3A_342 = arith.constant 0 : i32
      %dma_wait3A_343 = tpu.memref_slice %arg8[%dma_wait3A_341, %dma_wait3A_342] : memref<8192x16xf32, #tpu.memory_space<vmem_shared>> -> memref<8192x16xf32, #tpu.memory_space<vmem_shared>>
      tpu.wait_indirect_dma semaphore(%run_scoped3A_331 : memref<!tpu.dma_semaphore, #tpu.memory_space<semaphore_mem>>) src(%arg13 : memref<128x16xf32, #tpu.memory_space<vmem>>) dst(%dma_wait3A_343 : memref<8192x16xf32, #tpu.memory_space<vmem_shared>>)
      tpu.yield
    }) : () -> ()
    %run_scoped3A_307 = arith.constant 2 : i32
    "tpu.region"() ({
      %run_scoped3A_331 = tpu.sem_alloc : memref<!tpu.dma_semaphore, #tpu.memory_space<semaphore_mem>>
      %dma_start3A_332 = arith.constant 256 : i32
      %dma_start3A_333 = arith.constant 0 : i32
      %dma_start3A_334 = tpu.memref_slice %arg11[%dma_start3A_332, %dma_start3A_333] : memref<512x32xf32, #tpu.memory_space<vmem>> -> memref<128x32xf32, #tpu.memory_space<vmem>>
      %dma_start3A_335 = arith.constant 0 : i32
      %dma_start3A_336 = tpu.memref_slice %arg10[%run_scoped3A_307, %dma_start3A_335] : memref<4x128xi32, #tpu.memory_space<vmem>> -> memref<1x128xi32, #tpu.memory_space<vmem>>
      %dma_start3A_337 = tpu.memref_squeeze %dma_start3A_336 : memref<1x128xi32, #tpu.memory_space<vmem>> -> memref<128xi32, #tpu.memory_space<vmem>>
      %dma_start3A_338 = arith.constant 0 : i32
      %dma_start3A_339 = arith.constant 0 : i32
      %dma_start3A_340 = tpu.memref_slice %arg7[%dma_start3A_338, %dma_start3A_339] : memref<8192x32xf32, #tpu.memory_space<vmem_shared>> -> memref<8192x32xf32, #tpu.memory_space<vmem_shared>>
      tpu.enqueue_indirect_dma source(%dma_start3A_334 : memref<128x32xf32, #tpu.memory_space<vmem>>) target(%dma_start3A_340 : memref<8192x32xf32, #tpu.memory_space<vmem_shared>>) offsets(%dma_start3A_337 : memref<128xi32, #tpu.memory_space<vmem>>) semaphore(%run_scoped3A_331 : memref<!tpu.dma_semaphore, #tpu.memory_space<semaphore_mem>>) {add = true}
      %dma_wait3A_341 = arith.constant 256 : i32
      %dma_wait3A_342 = arith.constant 0 : i32
      %dma_wait3A_343 = tpu.memref_slice %arg11[%dma_wait3A_341, %dma_wait3A_342] : memref<512x32xf32, #tpu.memory_space<vmem>> -> memref<128x32xf32, #tpu.memory_space<vmem>>
      %dma_wait3A_344 = arith.constant 0 : i32
      %dma_wait3A_345 = tpu.memref_slice %arg10[%run_scoped3A_307, %dma_wait3A_344] : memref<4x128xi32, #tpu.memory_space<vmem>> -> memref<1x128xi32, #tpu.memory_space<vmem>>
      %dma_wait3A_346 = tpu.memref_squeeze %dma_wait3A_345 : memref<1x128xi32, #tpu.memory_space<vmem>> -> memref<128xi32, #tpu.memory_space<vmem>>
      %dma_wait3A_347 = arith.constant 0 : i32
      %dma_wait3A_348 = arith.constant 0 : i32
      %dma_wait3A_349 = tpu.memref_slice %arg7[%dma_wait3A_347, %dma_wait3A_348] : memref<8192x32xf32, #tpu.memory_space<vmem_shared>> -> memref<8192x32xf32, #tpu.memory_space<vmem_shared>>
      tpu.wait_indirect_dma semaphore(%run_scoped3A_331 : memref<!tpu.dma_semaphore, #tpu.memory_space<semaphore_mem>>) src(%dma_wait3A_343 : memref<128x32xf32, #tpu.memory_space<vmem>>) dst(%dma_wait3A_349 : memref<8192x32xf32, #tpu.memory_space<vmem_shared>>)
      tpu.yield
    }) : () -> ()
    %run_scoped3A_308 = arith.constant 2 : i32
    "tpu.region"() ({
      %run_scoped3A_331 = tpu.sem_alloc : memref<!tpu.dma_semaphore, #tpu.memory_space<semaphore_mem>>
      %dma_start3A_332 = arith.constant 0 : i32
      %dma_start3A_333 = tpu.memref_slice %arg10[%run_scoped3A_308, %dma_start3A_332] : memref<4x128xi32, #tpu.memory_space<vmem>> -> memref<1x128xi32, #tpu.memory_space<vmem>>
      %dma_start3A_334 = tpu.memref_squeeze %dma_start3A_333 : memref<1x128xi32, #tpu.memory_space<vmem>> -> memref<128xi32, #tpu.memory_space<vmem>>
      %dma_start3A_335 = arith.constant 0 : i32
      %dma_start3A_336 = arith.constant 0 : i32
      %dma_start3A_337 = tpu.memref_slice %arg8[%dma_start3A_335, %dma_start3A_336] : memref<8192x16xf32, #tpu.memory_space<vmem_shared>> -> memref<8192x16xf32, #tpu.memory_space<vmem_shared>>
      tpu.enqueue_indirect_dma source(%arg13 : memref<128x16xf32, #tpu.memory_space<vmem>>) target(%dma_start3A_337 : memref<8192x16xf32, #tpu.memory_space<vmem_shared>>) offsets(%dma_start3A_334 : memref<128xi32, #tpu.memory_space<vmem>>) semaphore(%run_scoped3A_331 : memref<!tpu.dma_semaphore, #tpu.memory_space<semaphore_mem>>) {add = true}
      %dma_wait3A_338 = arith.constant 0 : i32
      %dma_wait3A_339 = tpu.memref_slice %arg10[%run_scoped3A_308, %dma_wait3A_338] : memref<4x128xi32, #tpu.memory_space<vmem>> -> memref<1x128xi32, #tpu.memory_space<vmem>>
      %dma_wait3A_340 = tpu.memref_squeeze %dma_wait3A_339 : memref<1x128xi32, #tpu.memory_space<vmem>> -> memref<128xi32, #tpu.memory_space<vmem>>
      %dma_wait3A_341 = arith.constant 0 : i32
      %dma_wait3A_342 = arith.constant 0 : i32
      %dma_wait3A_343 = tpu.memref_slice %arg8[%dma_wait3A_341, %dma_wait3A_342] : memref<8192x16xf32, #tpu.memory_space<vmem_shared>> -> memref<8192x16xf32, #tpu.memory_space<vmem_shared>>
      tpu.wait_indirect_dma semaphore(%run_scoped3A_331 : memref<!tpu.dma_semaphore, #tpu.memory_space<semaphore_mem>>) src(%arg13 : memref<128x16xf32, #tpu.memory_space<vmem>>) dst(%dma_wait3A_343 : memref<8192x16xf32, #tpu.memory_space<vmem_shared>>)
      tpu.yield
    }) : () -> ()
    %run_scoped3A_309 = arith.constant 3 : i32
    "tpu.region"() ({
      %run_scoped3A_331 = tpu.sem_alloc : memref<!tpu.dma_semaphore, #tpu.memory_space<semaphore_mem>>
      %dma_start3A_332 = arith.constant 384 : i32
      %dma_start3A_333 = arith.constant 0 : i32
      %dma_start3A_334 = tpu.memref_slice %arg11[%dma_start3A_332, %dma_start3A_333] : memref<512x32xf32, #tpu.memory_space<vmem>> -> memref<128x32xf32, #tpu.memory_space<vmem>>
      %dma_start3A_335 = arith.constant 0 : i32
      %dma_start3A_336 = tpu.memref_slice %arg10[%run_scoped3A_309, %dma_start3A_335] : memref<4x128xi32, #tpu.memory_space<vmem>> -> memref<1x128xi32, #tpu.memory_space<vmem>>
      %dma_start3A_337 = tpu.memref_squeeze %dma_start3A_336 : memref<1x128xi32, #tpu.memory_space<vmem>> -> memref<128xi32, #tpu.memory_space<vmem>>
      %dma_start3A_338 = arith.constant 0 : i32
      %dma_start3A_339 = arith.constant 0 : i32
      %dma_start3A_340 = tpu.memref_slice %arg7[%dma_start3A_338, %dma_start3A_339] : memref<8192x32xf32, #tpu.memory_space<vmem_shared>> -> memref<8192x32xf32, #tpu.memory_space<vmem_shared>>
      tpu.enqueue_indirect_dma source(%dma_start3A_334 : memref<128x32xf32, #tpu.memory_space<vmem>>) target(%dma_start3A_340 : memref<8192x32xf32, #tpu.memory_space<vmem_shared>>) offsets(%dma_start3A_337 : memref<128xi32, #tpu.memory_space<vmem>>) semaphore(%run_scoped3A_331 : memref<!tpu.dma_semaphore, #tpu.memory_space<semaphore_mem>>) {add = true}
      %dma_wait3A_341 = arith.constant 384 : i32
      %dma_wait3A_342 = arith.constant 0 : i32
      %dma_wait3A_343 = tpu.memref_slice %arg11[%dma_wait3A_341, %dma_wait3A_342] : memref<512x32xf32, #tpu.memory_space<vmem>> -> memref<128x32xf32, #tpu.memory_space<vmem>>
      %dma_wait3A_344 = arith.constant 0 : i32
      %dma_wait3A_345 = tpu.memref_slice %arg10[%run_scoped3A_309, %dma_wait3A_344] : memref<4x128xi32, #tpu.memory_space<vmem>> -> memref<1x128xi32, #tpu.memory_space<vmem>>
      %dma_wait3A_346 = tpu.memref_squeeze %dma_wait3A_345 : memref<1x128xi32, #tpu.memory_space<vmem>> -> memref<128xi32, #tpu.memory_space<vmem>>
      %dma_wait3A_347 = arith.constant 0 : i32
      %dma_wait3A_348 = arith.constant 0 : i32
      %dma_wait3A_349 = tpu.memref_slice %arg7[%dma_wait3A_347, %dma_wait3A_348] : memref<8192x32xf32, #tpu.memory_space<vmem_shared>> -> memref<8192x32xf32, #tpu.memory_space<vmem_shared>>
      tpu.wait_indirect_dma semaphore(%run_scoped3A_331 : memref<!tpu.dma_semaphore, #tpu.memory_space<semaphore_mem>>) src(%dma_wait3A_343 : memref<128x32xf32, #tpu.memory_space<vmem>>) dst(%dma_wait3A_349 : memref<8192x32xf32, #tpu.memory_space<vmem_shared>>)
      tpu.yield
    }) : () -> ()
    %run_scoped3A_310 = arith.constant 3 : i32
    "tpu.region"() ({
      %run_scoped3A_331 = tpu.sem_alloc : memref<!tpu.dma_semaphore, #tpu.memory_space<semaphore_mem>>
      %dma_start3A_332 = arith.constant 0 : i32
      %dma_start3A_333 = tpu.memref_slice %arg10[%run_scoped3A_310, %dma_start3A_332] : memref<4x128xi32, #tpu.memory_space<vmem>> -> memref<1x128xi32, #tpu.memory_space<vmem>>
      %dma_start3A_334 = tpu.memref_squeeze %dma_start3A_333 : memref<1x128xi32, #tpu.memory_space<vmem>> -> memref<128xi32, #tpu.memory_space<vmem>>
      %dma_start3A_335 = arith.constant 0 : i32
      %dma_start3A_336 = arith.constant 0 : i32
      %dma_start3A_337 = tpu.memref_slice %arg8[%dma_start3A_335, %dma_start3A_336] : memref<8192x16xf32, #tpu.memory_space<vmem_shared>> -> memref<8192x16xf32, #tpu.memory_space<vmem_shared>>
      tpu.enqueue_indirect_dma source(%arg13 : memref<128x16xf32, #tpu.memory_space<vmem>>) target(%dma_start3A_337 : memref<8192x16xf32, #tpu.memory_space<vmem_shared>>) offsets(%dma_start3A_334 : memref<128xi32, #tpu.memory_space<vmem>>) semaphore(%run_scoped3A_331 : memref<!tpu.dma_semaphore, #tpu.memory_space<semaphore_mem>>) {add = true}
      %dma_wait3A_338 = arith.constant 0 : i32
      %dma_wait3A_339 = tpu.memref_slice %arg10[%run_scoped3A_310, %dma_wait3A_338] : memref<4x128xi32, #tpu.memory_space<vmem>> -> memref<1x128xi32, #tpu.memory_space<vmem>>
      %dma_wait3A_340 = tpu.memref_squeeze %dma_wait3A_339 : memref<1x128xi32, #tpu.memory_space<vmem>> -> memref<128xi32, #tpu.memory_space<vmem>>
      %dma_wait3A_341 = arith.constant 0 : i32
      %dma_wait3A_342 = arith.constant 0 : i32
      %dma_wait3A_343 = tpu.memref_slice %arg8[%dma_wait3A_341, %dma_wait3A_342] : memref<8192x16xf32, #tpu.memory_space<vmem_shared>> -> memref<8192x16xf32, #tpu.memory_space<vmem_shared>>
      tpu.wait_indirect_dma semaphore(%run_scoped3A_331 : memref<!tpu.dma_semaphore, #tpu.memory_space<semaphore_mem>>) src(%arg13 : memref<128x16xf32, #tpu.memory_space<vmem>>) dst(%dma_wait3A_343 : memref<8192x16xf32, #tpu.memory_space<vmem_shared>>)
      tpu.yield
    }) : () -> ()
    %barrier3A_311 = arith.constant 0 : index
    tpu.barrier barrier_id(%barrier3A_311)
    %dma_start3A_312 = tpu.memref_slice %arg5[%mul3A_0, %mul3A_2] : memref<8192x64xf32, #tpu.memory_space<hbm>> -> memref<512x32xf32, #tpu.memory_space<hbm>>
    %dma_start3A_313 = tpu.memref_slice %arg5[%mul3A_0, %mul3A_2] : memref<8192x64xf32, #tpu.memory_space<hbm>> -> memref<512x32xf32, #tpu.memory_space<hbm>>
    tpu.enqueue_dma source(%dma_start3A_313 : memref<512x32xf32, #tpu.memory_space<hbm>>) target(%arg14 : memref<512x32xf32, #tpu.memory_space<vmem>>) target_semaphore(%arg19 : memref<!tpu.dma_semaphore, #tpu.memory_space<semaphore_mem>>)
    %dma_start3A_314 = arith.constant 0 : i32
    %dma_start3A_315 = tpu.memref_slice %arg4[%mul3A_0, %dma_start3A_314] : memref<8192x16xf32, #tpu.memory_space<hbm>> -> memref<512x16xf32, #tpu.memory_space<hbm>>
    %dma_start3A_316 = arith.constant 0 : i32
    %dma_start3A_317 = tpu.memref_slice %arg4[%mul3A_0, %dma_start3A_316] : memref<8192x16xf32, #tpu.memory_space<hbm>> -> memref<512x16xf32, #tpu.memory_space<hbm>>
    tpu.enqueue_dma source(%dma_start3A_317 : memref<512x16xf32, #tpu.memory_space<hbm>>) target(%arg15 : memref<512x16xf32, #tpu.memory_space<vmem>>) target_semaphore(%arg19 : memref<!tpu.dma_semaphore, #tpu.memory_space<semaphore_mem>>)
    "tpu.region"() ({
      %run_scoped3A_331 = tpu.sem_alloc : memref<!tpu.dma_semaphore, #tpu.memory_space<semaphore_mem>>
      %dma_start3A_332 = arith.constant 0 : i32
      %dma_start3A_333 = tpu.memref_slice %arg7[%mul3A_0, %dma_start3A_332] : memref<8192x32xf32, #tpu.memory_space<vmem_shared>> -> memref<512x32xf32, #tpu.memory_space<vmem_shared>>
      %dma_start3A_334 = arith.constant 0 : i32
      %dma_start3A_335 = tpu.memref_slice %arg7[%mul3A_0, %dma_start3A_334] : memref<8192x32xf32, #tpu.memory_space<vmem_shared>> -> memref<512x32xf32, #tpu.memory_space<vmem_shared>>
      tpu.enqueue_dma source(%dma_start3A_335 : memref<512x32xf32, #tpu.memory_space<vmem_shared>>) target(%arg11 : memref<512x32xf32, #tpu.memory_space<vmem>>) target_semaphore(%run_scoped3A_331 : memref<!tpu.dma_semaphore, #tpu.memory_space<semaphore_mem>>)
      %dma_wait3A_336 = arith.constant 0 : i32
      %dma_wait3A_337 = tpu.memref_slice %arg7[%mul3A_0, %dma_wait3A_336] : memref<8192x32xf32, #tpu.memory_space<vmem_shared>> -> memref<512x32xf32, #tpu.memory_space<vmem_shared>>
      %dma_wait3A_338 = arith.constant 0 : i32
      %dma_wait3A_339 = tpu.memref_slice %arg7[%mul3A_0, %dma_wait3A_338] : memref<8192x32xf32, #tpu.memory_space<vmem_shared>> -> memref<512x32xf32, #tpu.memory_space<vmem_shared>>
      tpu.wait_dma2 semaphore(%run_scoped3A_331 : memref<!tpu.dma_semaphore, #tpu.memory_space<semaphore_mem>>) src(%dma_wait3A_339 : memref<512x32xf32, #tpu.memory_space<vmem_shared>>) dst(%arg11 : memref<512x32xf32, #tpu.memory_space<vmem>>)
      tpu.yield
    }) : () -> ()
    "tpu.region"() ({
      %run_scoped3A_331 = tpu.sem_alloc : memref<!tpu.dma_semaphore, #tpu.memory_space<semaphore_mem>>
      %dma_start3A_332 = arith.constant 0 : i32
      %dma_start3A_333 = tpu.memref_slice %arg8[%mul3A_0, %dma_start3A_332] : memref<8192x16xf32, #tpu.memory_space<vmem_shared>> -> memref<512x16xf32, #tpu.memory_space<vmem_shared>>
      %dma_start3A_334 = arith.constant 0 : i32
      %dma_start3A_335 = tpu.memref_slice %arg8[%mul3A_0, %dma_start3A_334] : memref<8192x16xf32, #tpu.memory_space<vmem_shared>> -> memref<512x16xf32, #tpu.memory_space<vmem_shared>>
      tpu.enqueue_dma source(%dma_start3A_335 : memref<512x16xf32, #tpu.memory_space<vmem_shared>>) target(%arg16 : memref<512x16xf32, #tpu.memory_space<vmem>>) target_semaphore(%run_scoped3A_331 : memref<!tpu.dma_semaphore, #tpu.memory_space<semaphore_mem>>)
      %dma_wait3A_336 = arith.constant 0 : i32
      %dma_wait3A_337 = tpu.memref_slice %arg8[%mul3A_0, %dma_wait3A_336] : memref<8192x16xf32, #tpu.memory_space<vmem_shared>> -> memref<512x16xf32, #tpu.memory_space<vmem_shared>>
      %dma_wait3A_338 = arith.constant 0 : i32
      %dma_wait3A_339 = tpu.memref_slice %arg8[%mul3A_0, %dma_wait3A_338] : memref<8192x16xf32, #tpu.memory_space<vmem_shared>> -> memref<512x16xf32, #tpu.memory_space<vmem_shared>>
      tpu.wait_dma2 semaphore(%run_scoped3A_331 : memref<!tpu.dma_semaphore, #tpu.memory_space<semaphore_mem>>) src(%dma_wait3A_339 : memref<512x16xf32, #tpu.memory_space<vmem_shared>>) dst(%arg16 : memref<512x16xf32, #tpu.memory_space<vmem>>)
      tpu.yield
    }) : () -> ()
    %dma_wait3A_318 = tpu.memref_slice %arg5[%mul3A_0, %mul3A_2] : memref<8192x64xf32, #tpu.memory_space<hbm>> -> memref<512x32xf32, #tpu.memory_space<hbm>>
    %dma_wait3A_319 = tpu.memref_slice %arg5[%mul3A_0, %mul3A_2] : memref<8192x64xf32, #tpu.memory_space<hbm>> -> memref<512x32xf32, #tpu.memory_space<hbm>>
    tpu.wait_dma2 semaphore(%arg19 : memref<!tpu.dma_semaphore, #tpu.memory_space<semaphore_mem>>) src(%dma_wait3A_319 : memref<512x32xf32, #tpu.memory_space<hbm>>) dst(%arg14 : memref<512x32xf32, #tpu.memory_space<vmem>>)
    %dma_wait3A_320 = arith.constant 0 : i32
    %dma_wait3A_321 = tpu.memref_slice %arg4[%mul3A_0, %dma_wait3A_320] : memref<8192x16xf32, #tpu.memory_space<hbm>> -> memref<512x16xf32, #tpu.memory_space<hbm>>
    %dma_wait3A_322 = arith.constant 0 : i32
    %dma_wait3A_323 = tpu.memref_slice %arg4[%mul3A_0, %dma_wait3A_322] : memref<8192x16xf32, #tpu.memory_space<hbm>> -> memref<512x16xf32, #tpu.memory_space<hbm>>
    tpu.wait_dma2 semaphore(%arg19 : memref<!tpu.dma_semaphore, #tpu.memory_space<semaphore_mem>>) src(%dma_wait3A_323 : memref<512x16xf32, #tpu.memory_space<hbm>>) dst(%arg15 : memref<512x16xf32, #tpu.memory_space<vmem>>)
    %scan3A_324 = arith.constant 0 : i32
    %scan3A_325 = arith.constant 0 : i32
    %scan3A_326 = arith.constant 64 : i32
    %scan3A_327 = arith.addi %scan3A_325, %scan3A_326 : i32
    %scan3A_328 = arith.constant 1 : i32
    %scan3A_329 = scf.for %scan3A_331 = %scan3A_325 to %scan3A_327 step %scan3A_328 iter_args(%scan3A_332 = %scan3A_324) -> (i32)  : i32 {
      %mul3A_333 = arith.constant 8 : i32
      %mul3A_334 = arith.muli %scan3A_331, %mul3A_333 : i32
      %add3A = arith.constant 0 : i32
      %add3A_335 = arith.addi %mul3A_334, %add3A : i32
      %get3A_336 = arith.index_cast %add3A_335 : i32 to index
      %get3A_337 = arith.constant 0 : index
      %get3A_338 = tpu.vector_load %arg16[%get3A_336, %get3A_337] {strides = array<i32>} : memref<512x16xf32, #tpu.memory_space<vmem>>, vector<1x16xf32>,
      %get3A_339 = vector.shape_cast %get3A_338 : vector<1x16xf32> to vector<16xf32>
      %get3A_340 = arith.index_cast %add3A_335 : i32 to index
      %get3A_341 = arith.constant 0 : index
      %get3A_342 = tpu.vector_load %arg15[%get3A_340, %get3A_341] {strides = array<i32>} : memref<512x16xf32, #tpu.memory_space<vmem>>, vector<1x16xf32>,
      %get3A_343 = vector.shape_cast %get3A_342 : vector<1x16xf32> to vector<16xf32>
      %mul3A_344 = arith.constant 9.900000e-01 : f32
      %mul3A_345 = vector.broadcast %mul3A_344 : f32 to vector<16xf32>
      %mul3A_346 = arith.mulf %mul3A_345, %get3A_343 : vector<16xf32>
      %mul3A_347 = arith.constant 0.00999999977 : f32
      %mul3A_348 = vector.broadcast %mul3A_347 : f32 to vector<16xf32>
      %mul3A_349 = arith.mulf %mul3A_348, %get3A_339 : vector<16xf32>
      %add3A_350 = arith.addf %mul3A_346, %mul3A_349 : vector<16xf32>
      %div3A = arith.constant 1.000000e+00 : f32
      %div3A_351 = vector.broadcast %div3A : f32 to vector<16xf32>
      %div3A_352 = arith.divf %div3A_351, %add3A_350 : vector<16xf32>
      %get3A_353 = arith.index_cast %add3A_335 : i32 to index
      %get3A_354 = arith.constant 0 : index
      %get3A_355 = tpu.vector_load %arg14[%get3A_353, %get3A_354] {strides = array<i32>} : memref<512x32xf32, #tpu.memory_space<vmem>>, vector<1x16xf32>,
      %get3A_356 = vector.shape_cast %get3A_355 : vector<1x16xf32> to vector<16xf32>
      %get3A_357 = arith.index_cast %add3A_335 : i32 to index
      %get3A_358 = arith.constant 0 : index
      %get3A_359 = tpu.vector_load %arg11[%get3A_357, %get3A_358] {strides = array<i32>} : memref<512x32xf32, #tpu.memory_space<vmem>>, vector<1x16xf32>,
      %get3A_360 = vector.shape_cast %get3A_359 : vector<1x16xf32> to vector<16xf32>
      %mul3A_361 = arith.constant 9.900000e-01 : f32
      %mul3A_362 = vector.broadcast %mul3A_361 : f32 to vector<16xf32>
      %mul3A_363 = arith.mulf %mul3A_362, %get3A_356 : vector<16xf32>
      %mul3A_364 = arith.constant 0.00999999977 : f32
      %mul3A_365 = vector.broadcast %mul3A_364 : f32 to vector<16xf32>
      %mul3A_366 = arith.mulf %mul3A_365, %get3A_360 : vector<16xf32>
      %add3A_367 = arith.addf %mul3A_363, %mul3A_366 : vector<16xf32>
      %mul3A_368 = arith.mulf %add3A_367, %div3A_352 : vector<16xf32>
      %swap3A_369 = arith.index_cast %add3A_335 : i32 to index
      %swap3A_370 = arith.constant 0 : index
      %swap3A_371 = tpu.vector_load %arg17[%swap3A_369, %swap3A_370] {strides = array<i32>} : memref<512x32xf32, #tpu.memory_space<vmem>>, vector<1x16xf32>,
      %swap3A_372 = vector.shape_cast %swap3A_371 : vector<1x16xf32> to vector<16xf32>
      %swap3A_373 = vector.shape_cast %mul3A_368 : vector<16xf32> to vector<1x16xf32>
      tpu.vector_store %arg17[%swap3A_369, %swap3A_370], %swap3A_373 {strides = array<i32>} : memref<512x32xf32, #tpu.memory_space<vmem>>, vector<1x16xf32>,
      %get3A_374 = arith.index_cast %add3A_335 : i32 to index
      %get3A_375 = arith.constant 16 : index
      %get3A_376 = tpu.vector_load %arg14[%get3A_374, %get3A_375] {strides = array<i32>} : memref<512x32xf32, #tpu.memory_space<vmem>>, vector<1x16xf32>,
      %get3A_377 = vector.shape_cast %get3A_376 : vector<1x16xf32> to vector<16xf32>
      %get3A_378 = arith.index_cast %add3A_335 : i32 to index
      %get3A_379 = arith.constant 16 : index
      %get3A_380 = tpu.vector_load %arg11[%get3A_378, %get3A_379] {strides = array<i32>} : memref<512x32xf32, #tpu.memory_space<vmem>>, vector<1x16xf32>,
      %get3A_381 = vector.shape_cast %get3A_380 : vector<1x16xf32> to vector<16xf32>
      %mul3A_382 = arith.constant 9.900000e-01 : f32
      %mul3A_383 = vector.broadcast %mul3A_382 : f32 to vector<16xf32>
      %mul3A_384 = arith.mulf %mul3A_383, %get3A_377 : vector<16xf32>
      %mul3A_385 = arith.constant 0.00999999977 : f32
      %mul3A_386 = vector.broadcast %mul3A_385 : f32 to vector<16xf32>
      %mul3A_387 = arith.mulf %mul3A_386, %get3A_381 : vector<16xf32>
      %add3A_388 = arith.addf %mul3A_384, %mul3A_387 : vector<16xf32>
      %mul3A_389 = arith.mulf %add3A_388, %div3A_352 : vector<16xf32>
      %swap3A_390 = arith.index_cast %add3A_335 : i32 to index
      %swap3A_391 = arith.constant 16 : index
      %swap3A_392 = tpu.vector_load %arg17[%swap3A_390, %swap3A_391] {strides = array<i32>} : memref<512x32xf32, #tpu.memory_space<vmem>>, vector<1x16xf32>,
      %swap3A_393 = vector.shape_cast %swap3A_392 : vector<1x16xf32> to vector<16xf32>
      %swap3A_394 = vector.shape_cast %mul3A_389 : vector<16xf32> to vector<1x16xf32>
      tpu.vector_store %arg17[%swap3A_390, %swap3A_391], %swap3A_394 {strides = array<i32>} : memref<512x32xf32, #tpu.memory_space<vmem>>, vector<1x16xf32>,
      %mul3A_395 = arith.constant 8 : i32
      %mul3A_396 = arith.muli %scan3A_331, %mul3A_395 : i32
      %add3A_397 = arith.constant 1 : i32
      %add3A_398 = arith.addi %mul3A_396, %add3A_397 : i32
      %get3A_399 = arith.index_cast %add3A_398 : i32 to index
      %get3A_400 = arith.constant 0 : index
      %get3A_401 = tpu.vector_load %arg16[%get3A_399, %get3A_400] {strides = array<i32>} : memref<512x16xf32, #tpu.memory_space<vmem>>, vector<1x16xf32>,
      %get3A_402 = vector.shape_cast %get3A_401 : vector<1x16xf32> to vector<16xf32>
      %get3A_403 = arith.index_cast %add3A_398 : i32 to index
      %get3A_404 = arith.constant 0 : index
      %get3A_405 = tpu.vector_load %arg15[%get3A_403, %get3A_404] {strides = array<i32>} : memref<512x16xf32, #tpu.memory_space<vmem>>, vector<1x16xf32>,
      %get3A_406 = vector.shape_cast %get3A_405 : vector<1x16xf32> to vector<16xf32>
      %mul3A_407 = arith.constant 9.900000e-01 : f32
      %mul3A_408 = vector.broadcast %mul3A_407 : f32 to vector<16xf32>
      %mul3A_409 = arith.mulf %mul3A_408, %get3A_406 : vector<16xf32>
      %mul3A_410 = arith.constant 0.00999999977 : f32
      %mul3A_411 = vector.broadcast %mul3A_410 : f32 to vector<16xf32>
      %mul3A_412 = arith.mulf %mul3A_411, %get3A_402 : vector<16xf32>
      %add3A_413 = arith.addf %mul3A_409, %mul3A_412 : vector<16xf32>
      %div3A_414 = arith.constant 1.000000e+00 : f32
      %div3A_415 = vector.broadcast %div3A_414 : f32 to vector<16xf32>
      %div3A_416 = arith.divf %div3A_415, %add3A_413 : vector<16xf32>
      %get3A_417 = arith.index_cast %add3A_398 : i32 to index
      %get3A_418 = arith.constant 0 : index
      %get3A_419 = tpu.vector_load %arg14[%get3A_417, %get3A_418] {strides = array<i32>} : memref<512x32xf32, #tpu.memory_space<vmem>>, vector<1x16xf32>,
      %get3A_420 = vector.shape_cast %get3A_419 : vector<1x16xf32> to vector<16xf32>
      %get3A_421 = arith.index_cast %add3A_398 : i32 to index
      %get3A_422 = arith.constant 0 : index
      %get3A_423 = tpu.vector_load %arg11[%get3A_421, %get3A_422] {strides = array<i32>} : memref<512x32xf32, #tpu.memory_space<vmem>>, vector<1x16xf32>,
      %get3A_424 = vector.shape_cast %get3A_423 : vector<1x16xf32> to vector<16xf32>
      %mul3A_425 = arith.constant 9.900000e-01 : f32
      %mul3A_426 = vector.broadcast %mul3A_425 : f32 to vector<16xf32>
      %mul3A_427 = arith.mulf %mul3A_426, %get3A_420 : vector<16xf32>
      %mul3A_428 = arith.constant 0.00999999977 : f32
      %mul3A_429 = vector.broadcast %mul3A_428 : f32 to vector<16xf32>
      %mul3A_430 = arith.mulf %mul3A_429, %get3A_424 : vector<16xf32>
      %add3A_431 = arith.addf %mul3A_427, %mul3A_430 : vector<16xf32>
      %mul3A_432 = arith.mulf %add3A_431, %div3A_416 : vector<16xf32>
      %swap3A_433 = arith.index_cast %add3A_398 : i32 to index
      %swap3A_434 = arith.constant 0 : index
      %swap3A_435 = tpu.vector_load %arg17[%swap3A_433, %swap3A_434] {strides = array<i32>} : memref<512x32xf32, #tpu.memory_space<vmem>>, vector<1x16xf32>,
      %swap3A_436 = vector.shape_cast %swap3A_435 : vector<1x16xf32> to vector<16xf32>
      %swap3A_437 = vector.shape_cast %mul3A_432 : vector<16xf32> to vector<1x16xf32>
      tpu.vector_store %arg17[%swap3A_433, %swap3A_434], %swap3A_437 {strides = array<i32>} : memref<512x32xf32, #tpu.memory_space<vmem>>, vector<1x16xf32>,
      %get3A_438 = arith.index_cast %add3A_398 : i32 to index
      %get3A_439 = arith.constant 16 : index
      %get3A_440 = tpu.vector_load %arg14[%get3A_438, %get3A_439] {strides = array<i32>} : memref<512x32xf32, #tpu.memory_space<vmem>>, vector<1x16xf32>,
      %get3A_441 = vector.shape_cast %get3A_440 : vector<1x16xf32> to vector<16xf32>
      %get3A_442 = arith.index_cast %add3A_398 : i32 to index
      %get3A_443 = arith.constant 16 : index
      %get3A_444 = tpu.vector_load %arg11[%get3A_442, %get3A_443] {strides = array<i32>} : memref<512x32xf32, #tpu.memory_space<vmem>>, vector<1x16xf32>,
      %get3A_445 = vector.shape_cast %get3A_444 : vector<1x16xf32> to vector<16xf32>
      %mul3A_446 = arith.constant 9.900000e-01 : f32
      %mul3A_447 = vector.broadcast %mul3A_446 : f32 to vector<16xf32>
      %mul3A_448 = arith.mulf %mul3A_447, %get3A_441 : vector<16xf32>
      %mul3A_449 = arith.constant 0.00999999977 : f32
      %mul3A_450 = vector.broadcast %mul3A_449 : f32 to vector<16xf32>
      %mul3A_451 = arith.mulf %mul3A_450, %get3A_445 : vector<16xf32>
      %add3A_452 = arith.addf %mul3A_448, %mul3A_451 : vector<16xf32>
      %mul3A_453 = arith.mulf %add3A_452, %div3A_416 : vector<16xf32>
      %swap3A_454 = arith.index_cast %add3A_398 : i32 to index
      %swap3A_455 = arith.constant 16 : index
      %swap3A_456 = tpu.vector_load %arg17[%swap3A_454, %swap3A_455] {strides = array<i32>} : memref<512x32xf32, #tpu.memory_space<vmem>>, vector<1x16xf32>,
      %swap3A_457 = vector.shape_cast %swap3A_456 : vector<1x16xf32> to vector<16xf32>
      %swap3A_458 = vector.shape_cast %mul3A_453 : vector<16xf32> to vector<1x16xf32>
      tpu.vector_store %arg17[%swap3A_454, %swap3A_455], %swap3A_458 {strides = array<i32>} : memref<512x32xf32, #tpu.memory_space<vmem>>, vector<1x16xf32>,
      %mul3A_459 = arith.constant 8 : i32
      %mul3A_460 = arith.muli %scan3A_331, %mul3A_459 : i32
      %add3A_461 = arith.constant 2 : i32
      %add3A_462 = arith.addi %mul3A_460, %add3A_461 : i32
      %get3A_463 = arith.index_cast %add3A_462 : i32 to index
      %get3A_464 = arith.constant 0 : index
      %get3A_465 = tpu.vector_load %arg16[%get3A_463, %get3A_464] {strides = array<i32>} : memref<512x16xf32, #tpu.memory_space<vmem>>, vector<1x16xf32>,
      %get3A_466 = vector.shape_cast %get3A_465 : vector<1x16xf32> to vector<16xf32>
      %get3A_467 = arith.index_cast %add3A_462 : i32 to index
      %get3A_468 = arith.constant 0 : index
      %get3A_469 = tpu.vector_load %arg15[%get3A_467, %get3A_468] {strides = array<i32>} : memref<512x16xf32, #tpu.memory_space<vmem>>, vector<1x16xf32>,
      %get3A_470 = vector.shape_cast %get3A_469 : vector<1x16xf32> to vector<16xf32>
      %mul3A_471 = arith.constant 9.900000e-01 : f32
      %mul3A_472 = vector.broadcast %mul3A_471 : f32 to vector<16xf32>
      %mul3A_473 = arith.mulf %mul3A_472, %get3A_470 : vector<16xf32>
      %mul3A_474 = arith.constant 0.00999999977 : f32
      %mul3A_475 = vector.broadcast %mul3A_474 : f32 to vector<16xf32>
      %mul3A_476 = arith.mulf %mul3A_475, %get3A_466 : vector<16xf32>
      %add3A_477 = arith.addf %mul3A_473, %mul3A_476 : vector<16xf32>
      %div3A_478 = arith.constant 1.000000e+00 : f32
      %div3A_479 = vector.broadcast %div3A_478 : f32 to vector<16xf32>
      %div3A_480 = arith.divf %div3A_479, %add3A_477 : vector<16xf32>
      %get3A_481 = arith.index_cast %add3A_462 : i32 to index
      %get3A_482 = arith.constant 0 : index
      %get3A_483 = tpu.vector_load %arg14[%get3A_481, %get3A_482] {strides = array<i32>} : memref<512x32xf32, #tpu.memory_space<vmem>>, vector<1x16xf32>,
      %get3A_484 = vector.shape_cast %get3A_483 : vector<1x16xf32> to vector<16xf32>
      %get3A_485 = arith.index_cast %add3A_462 : i32 to index
      %get3A_486 = arith.constant 0 : index
      %get3A_487 = tpu.vector_load %arg11[%get3A_485, %get3A_486] {strides = array<i32>} : memref<512x32xf32, #tpu.memory_space<vmem>>, vector<1x16xf32>,
      %get3A_488 = vector.shape_cast %get3A_487 : vector<1x16xf32> to vector<16xf32>
      %mul3A_489 = arith.constant 9.900000e-01 : f32
      %mul3A_490 = vector.broadcast %mul3A_489 : f32 to vector<16xf32>
      %mul3A_491 = arith.mulf %mul3A_490, %get3A_484 : vector<16xf32>
      %mul3A_492 = arith.constant 0.00999999977 : f32
      %mul3A_493 = vector.broadcast %mul3A_492 : f32 to vector<16xf32>
      %mul3A_494 = arith.mulf %mul3A_493, %get3A_488 : vector<16xf32>
      %add3A_495 = arith.addf %mul3A_491, %mul3A_494 : vector<16xf32>
      %mul3A_496 = arith.mulf %add3A_495, %div3A_480 : vector<16xf32>
      %swap3A_497 = arith.index_cast %add3A_462 : i32 to index
      %swap3A_498 = arith.constant 0 : index
      %swap3A_499 = tpu.vector_load %arg17[%swap3A_497, %swap3A_498] {strides = array<i32>} : memref<512x32xf32, #tpu.memory_space<vmem>>, vector<1x16xf32>,
      %swap3A_500 = vector.shape_cast %swap3A_499 : vector<1x16xf32> to vector<16xf32>
      %swap3A_501 = vector.shape_cast %mul3A_496 : vector<16xf32> to vector<1x16xf32>
      tpu.vector_store %arg17[%swap3A_497, %swap3A_498], %swap3A_501 {strides = array<i32>} : memref<512x32xf32, #tpu.memory_space<vmem>>, vector<1x16xf32>,
      %get3A_502 = arith.index_cast %add3A_462 : i32 to index
      %get3A_503 = arith.constant 16 : index
      %get3A_504 = tpu.vector_load %arg14[%get3A_502, %get3A_503] {strides = array<i32>} : memref<512x32xf32, #tpu.memory_space<vmem>>, vector<1x16xf32>,
      %get3A_505 = vector.shape_cast %get3A_504 : vector<1x16xf32> to vector<16xf32>
      %get3A_506 = arith.index_cast %add3A_462 : i32 to index
      %get3A_507 = arith.constant 16 : index
      %get3A_508 = tpu.vector_load %arg11[%get3A_506, %get3A_507] {strides = array<i32>} : memref<512x32xf32, #tpu.memory_space<vmem>>, vector<1x16xf32>,
      %get3A_509 = vector.shape_cast %get3A_508 : vector<1x16xf32> to vector<16xf32>
      %mul3A_510 = arith.constant 9.900000e-01 : f32
      %mul3A_511 = vector.broadcast %mul3A_510 : f32 to vector<16xf32>
      %mul3A_512 = arith.mulf %mul3A_511, %get3A_505 : vector<16xf32>
      %mul3A_513 = arith.constant 0.00999999977 : f32
      %mul3A_514 = vector.broadcast %mul3A_513 : f32 to vector<16xf32>
      %mul3A_515 = arith.mulf %mul3A_514, %get3A_509 : vector<16xf32>
      %add3A_516 = arith.addf %mul3A_512, %mul3A_515 : vector<16xf32>
      %mul3A_517 = arith.mulf %add3A_516, %div3A_480 : vector<16xf32>
      %swap3A_518 = arith.index_cast %add3A_462 : i32 to index
      %swap3A_519 = arith.constant 16 : index
      %swap3A_520 = tpu.vector_load %arg17[%swap3A_518, %swap3A_519] {strides = array<i32>} : memref<512x32xf32, #tpu.memory_space<vmem>>, vector<1x16xf32>,
      %swap3A_521 = vector.shape_cast %swap3A_520 : vector<1x16xf32> to vector<16xf32>
      %swap3A_522 = vector.shape_cast %mul3A_517 : vector<16xf32> to vector<1x16xf32>
      tpu.vector_store %arg17[%swap3A_518, %swap3A_519], %swap3A_522 {strides = array<i32>} : memref<512x32xf32, #tpu.memory_space<vmem>>, vector<1x16xf32>,
      %mul3A_523 = arith.constant 8 : i32
      %mul3A_524 = arith.muli %scan3A_331, %mul3A_523 : i32
      %add3A_525 = arith.constant 3 : i32
      %add3A_526 = arith.addi %mul3A_524, %add3A_525 : i32
      %get3A_527 = arith.index_cast %add3A_526 : i32 to index
      %get3A_528 = arith.constant 0 : index
      %get3A_529 = tpu.vector_load %arg16[%get3A_527, %get3A_528] {strides = array<i32>} : memref<512x16xf32, #tpu.memory_space<vmem>>, vector<1x16xf32>,
      %get3A_530 = vector.shape_cast %get3A_529 : vector<1x16xf32> to vector<16xf32>
      %get3A_531 = arith.index_cast %add3A_526 : i32 to index
      %get3A_532 = arith.constant 0 : index
      %get3A_533 = tpu.vector_load %arg15[%get3A_531, %get3A_532] {strides = array<i32>} : memref<512x16xf32, #tpu.memory_space<vmem>>, vector<1x16xf32>,
      %get3A_534 = vector.shape_cast %get3A_533 : vector<1x16xf32> to vector<16xf32>
      %mul3A_535 = arith.constant 9.900000e-01 : f32
      %mul3A_536 = vector.broadcast %mul3A_535 : f32 to vector<16xf32>
      %mul3A_537 = arith.mulf %mul3A_536, %get3A_534 : vector<16xf32>
      %mul3A_538 = arith.constant 0.00999999977 : f32
      %mul3A_539 = vector.broadcast %mul3A_538 : f32 to vector<16xf32>
      %mul3A_540 = arith.mulf %mul3A_539, %get3A_530 : vector<16xf32>
      %add3A_541 = arith.addf %mul3A_537, %mul3A_540 : vector<16xf32>
      %div3A_542 = arith.constant 1.000000e+00 : f32
      %div3A_543 = vector.broadcast %div3A_542 : f32 to vector<16xf32>
      %div3A_544 = arith.divf %div3A_543, %add3A_541 : vector<16xf32>
      %get3A_545 = arith.index_cast %add3A_526 : i32 to index
      %get3A_546 = arith.constant 0 : index
      %get3A_547 = tpu.vector_load %arg14[%get3A_545, %get3A_546] {strides = array<i32>} : memref<512x32xf32, #tpu.memory_space<vmem>>, vector<1x16xf32>,
      %get3A_548 = vector.shape_cast %get3A_547 : vector<1x16xf32> to vector<16xf32>
      %get3A_549 = arith.index_cast %add3A_526 : i32 to index
      %get3A_550 = arith.constant 0 : index
      %get3A_551 = tpu.vector_load %arg11[%get3A_549, %get3A_550] {strides = array<i32>} : memref<512x32xf32, #tpu.memory_space<vmem>>, vector<1x16xf32>,
      %get3A_552 = vector.shape_cast %get3A_551 : vector<1x16xf32> to vector<16xf32>
      %mul3A_553 = arith.constant 9.900000e-01 : f32
      %mul3A_554 = vector.broadcast %mul3A_553 : f32 to vector<16xf32>
      %mul3A_555 = arith.mulf %mul3A_554, %get3A_548 : vector<16xf32>
      %mul3A_556 = arith.constant 0.00999999977 : f32
      %mul3A_557 = vector.broadcast %mul3A_556 : f32 to vector<16xf32>
      %mul3A_558 = arith.mulf %mul3A_557, %get3A_552 : vector<16xf32>
      %add3A_559 = arith.addf %mul3A_555, %mul3A_558 : vector<16xf32>
      %mul3A_560 = arith.mulf %add3A_559, %div3A_544 : vector<16xf32>
      %swap3A_561 = arith.index_cast %add3A_526 : i32 to index
      %swap3A_562 = arith.constant 0 : index
      %swap3A_563 = tpu.vector_load %arg17[%swap3A_561, %swap3A_562] {strides = array<i32>} : memref<512x32xf32, #tpu.memory_space<vmem>>, vector<1x16xf32>,
      %swap3A_564 = vector.shape_cast %swap3A_563 : vector<1x16xf32> to vector<16xf32>
      %swap3A_565 = vector.shape_cast %mul3A_560 : vector<16xf32> to vector<1x16xf32>
      tpu.vector_store %arg17[%swap3A_561, %swap3A_562], %swap3A_565 {strides = array<i32>} : memref<512x32xf32, #tpu.memory_space<vmem>>, vector<1x16xf32>,
      %get3A_566 = arith.index_cast %add3A_526 : i32 to index
      %get3A_567 = arith.constant 16 : index
      %get3A_568 = tpu.vector_load %arg14[%get3A_566, %get3A_567] {strides = array<i32>} : memref<512x32xf32, #tpu.memory_space<vmem>>, vector<1x16xf32>,
      %get3A_569 = vector.shape_cast %get3A_568 : vector<1x16xf32> to vector<16xf32>
      %get3A_570 = arith.index_cast %add3A_526 : i32 to index
      %get3A_571 = arith.constant 16 : index
      %get3A_572 = tpu.vector_load %arg11[%get3A_570, %get3A_571] {strides = array<i32>} : memref<512x32xf32, #tpu.memory_space<vmem>>, vector<1x16xf32>,
      %get3A_573 = vector.shape_cast %get3A_572 : vector<1x16xf32> to vector<16xf32>
      %mul3A_574 = arith.constant 9.900000e-01 : f32
      %mul3A_575 = vector.broadcast %mul3A_574 : f32 to vector<16xf32>
      %mul3A_576 = arith.mulf %mul3A_575, %get3A_569 : vector<16xf32>
      %mul3A_577 = arith.constant 0.00999999977 : f32
      %mul3A_578 = vector.broadcast %mul3A_577 : f32 to vector<16xf32>
      %mul3A_579 = arith.mulf %mul3A_578, %get3A_573 : vector<16xf32>
      %add3A_580 = arith.addf %mul3A_576, %mul3A_579 : vector<16xf32>
      %mul3A_581 = arith.mulf %add3A_580, %div3A_544 : vector<16xf32>
      %swap3A_582 = arith.index_cast %add3A_526 : i32 to index
      %swap3A_583 = arith.constant 16 : index
      %swap3A_584 = tpu.vector_load %arg17[%swap3A_582, %swap3A_583] {strides = array<i32>} : memref<512x32xf32, #tpu.memory_space<vmem>>, vector<1x16xf32>,
      %swap3A_585 = vector.shape_cast %swap3A_584 : vector<1x16xf32> to vector<16xf32>
      %swap3A_586 = vector.shape_cast %mul3A_581 : vector<16xf32> to vector<1x16xf32>
      tpu.vector_store %arg17[%swap3A_582, %swap3A_583], %swap3A_586 {strides = array<i32>} : memref<512x32xf32, #tpu.memory_space<vmem>>, vector<1x16xf32>,
      %mul3A_587 = arith.constant 8 : i32
      %mul3A_588 = arith.muli %scan3A_331, %mul3A_587 : i32
      %add3A_589 = arith.constant 4 : i32
      %add3A_590 = arith.addi %mul3A_588, %add3A_589 : i32
      %get3A_591 = arith.index_cast %add3A_590 : i32 to index
      %get3A_592 = arith.constant 0 : index
      %get3A_593 = tpu.vector_load %arg16[%get3A_591, %get3A_592] {strides = array<i32>} : memref<512x16xf32, #tpu.memory_space<vmem>>, vector<1x16xf32>,
      %get3A_594 = vector.shape_cast %get3A_593 : vector<1x16xf32> to vector<16xf32>
      %get3A_595 = arith.index_cast %add3A_590 : i32 to index
      %get3A_596 = arith.constant 0 : index
      %get3A_597 = tpu.vector_load %arg15[%get3A_595, %get3A_596] {strides = array<i32>} : memref<512x16xf32, #tpu.memory_space<vmem>>, vector<1x16xf32>,
      %get3A_598 = vector.shape_cast %get3A_597 : vector<1x16xf32> to vector<16xf32>
      %mul3A_599 = arith.constant 9.900000e-01 : f32
      %mul3A_600 = vector.broadcast %mul3A_599 : f32 to vector<16xf32>
      %mul3A_601 = arith.mulf %mul3A_600, %get3A_598 : vector<16xf32>
      %mul3A_602 = arith.constant 0.00999999977 : f32
      %mul3A_603 = vector.broadcast %mul3A_602 : f32 to vector<16xf32>
      %mul3A_604 = arith.mulf %mul3A_603, %get3A_594 : vector<16xf32>
      %add3A_605 = arith.addf %mul3A_601, %mul3A_604 : vector<16xf32>
      %div3A_606 = arith.constant 1.000000e+00 : f32
      %div3A_607 = vector.broadcast %div3A_606 : f32 to vector<16xf32>
      %div3A_608 = arith.divf %div3A_607, %add3A_605 : vector<16xf32>
      %get3A_609 = arith.index_cast %add3A_590 : i32 to index
      %get3A_610 = arith.constant 0 : index
      %get3A_611 = tpu.vector_load %arg14[%get3A_609, %get3A_610] {strides = array<i32>} : memref<512x32xf32, #tpu.memory_space<vmem>>, vector<1x16xf32>,
      %get3A_612 = vector.shape_cast %get3A_611 : vector<1x16xf32> to vector<16xf32>
      %get3A_613 = arith.index_cast %add3A_590 : i32 to index
      %get3A_614 = arith.constant 0 : index
      %get3A_615 = tpu.vector_load %arg11[%get3A_613, %get3A_614] {strides = array<i32>} : memref<512x32xf32, #tpu.memory_space<vmem>>, vector<1x16xf32>,
      %get3A_616 = vector.shape_cast %get3A_615 : vector<1x16xf32> to vector<16xf32>
      %mul3A_617 = arith.constant 9.900000e-01 : f32
      %mul3A_618 = vector.broadcast %mul3A_617 : f32 to vector<16xf32>
      %mul3A_619 = arith.mulf %mul3A_618, %get3A_612 : vector<16xf32>
      %mul3A_620 = arith.constant 0.00999999977 : f32
      %mul3A_621 = vector.broadcast %mul3A_620 : f32 to vector<16xf32>
      %mul3A_622 = arith.mulf %mul3A_621, %get3A_616 : vector<16xf32>
      %add3A_623 = arith.addf %mul3A_619, %mul3A_622 : vector<16xf32>
      %mul3A_624 = arith.mulf %add3A_623, %div3A_608 : vector<16xf32>
      %swap3A_625 = arith.index_cast %add3A_590 : i32 to index
      %swap3A_626 = arith.constant 0 : index
      %swap3A_627 = tpu.vector_load %arg17[%swap3A_625, %swap3A_626] {strides = array<i32>} : memref<512x32xf32, #tpu.memory_space<vmem>>, vector<1x16xf32>,
      %swap3A_628 = vector.shape_cast %swap3A_627 : vector<1x16xf32> to vector<16xf32>
      %swap3A_629 = vector.shape_cast %mul3A_624 : vector<16xf32> to vector<1x16xf32>
      tpu.vector_store %arg17[%swap3A_625, %swap3A_626], %swap3A_629 {strides = array<i32>} : memref<512x32xf32, #tpu.memory_space<vmem>>, vector<1x16xf32>,
      %get3A_630 = arith.index_cast %add3A_590 : i32 to index
      %get3A_631 = arith.constant 16 : index
      %get3A_632 = tpu.vector_load %arg14[%get3A_630, %get3A_631] {strides = array<i32>} : memref<512x32xf32, #tpu.memory_space<vmem>>, vector<1x16xf32>,
      %get3A_633 = vector.shape_cast %get3A_632 : vector<1x16xf32> to vector<16xf32>
      %get3A_634 = arith.index_cast %add3A_590 : i32 to index
      %get3A_635 = arith.constant 16 : index
      %get3A_636 = tpu.vector_load %arg11[%get3A_634, %get3A_635] {strides = array<i32>} : memref<512x32xf32, #tpu.memory_space<vmem>>, vector<1x16xf32>,
      %get3A_637 = vector.shape_cast %get3A_636 : vector<1x16xf32> to vector<16xf32>
      %mul3A_638 = arith.constant 9.900000e-01 : f32
      %mul3A_639 = vector.broadcast %mul3A_638 : f32 to vector<16xf32>
      %mul3A_640 = arith.mulf %mul3A_639, %get3A_633 : vector<16xf32>
      %mul3A_641 = arith.constant 0.00999999977 : f32
      %mul3A_642 = vector.broadcast %mul3A_641 : f32 to vector<16xf32>
      %mul3A_643 = arith.mulf %mul3A_642, %get3A_637 : vector<16xf32>
      %add3A_644 = arith.addf %mul3A_640, %mul3A_643 : vector<16xf32>
      %mul3A_645 = arith.mulf %add3A_644, %div3A_608 : vector<16xf32>
      %swap3A_646 = arith.index_cast %add3A_590 : i32 to index
      %swap3A_647 = arith.constant 16 : index
      %swap3A_648 = tpu.vector_load %arg17[%swap3A_646, %swap3A_647] {strides = array<i32>} : memref<512x32xf32, #tpu.memory_space<vmem>>, vector<1x16xf32>,
      %swap3A_649 = vector.shape_cast %swap3A_648 : vector<1x16xf32> to vector<16xf32>
      %swap3A_650 = vector.shape_cast %mul3A_645 : vector<16xf32> to vector<1x16xf32>
      tpu.vector_store %arg17[%swap3A_646, %swap3A_647], %swap3A_650 {strides = array<i32>} : memref<512x32xf32, #tpu.memory_space<vmem>>, vector<1x16xf32>,
      %mul3A_651 = arith.constant 8 : i32
      %mul3A_652 = arith.muli %scan3A_331, %mul3A_651 : i32
      %add3A_653 = arith.constant 5 : i32
      %add3A_654 = arith.addi %mul3A_652, %add3A_653 : i32
      %get3A_655 = arith.index_cast %add3A_654 : i32 to index
      %get3A_656 = arith.constant 0 : index
      %get3A_657 = tpu.vector_load %arg16[%get3A_655, %get3A_656] {strides = array<i32>} : memref<512x16xf32, #tpu.memory_space<vmem>>, vector<1x16xf32>,
      %get3A_658 = vector.shape_cast %get3A_657 : vector<1x16xf32> to vector<16xf32>
      %get3A_659 = arith.index_cast %add3A_654 : i32 to index
      %get3A_660 = arith.constant 0 : index
      %get3A_661 = tpu.vector_load %arg15[%get3A_659, %get3A_660] {strides = array<i32>} : memref<512x16xf32, #tpu.memory_space<vmem>>, vector<1x16xf32>,
      %get3A_662 = vector.shape_cast %get3A_661 : vector<1x16xf32> to vector<16xf32>
      %mul3A_663 = arith.constant 9.900000e-01 : f32
      %mul3A_664 = vector.broadcast %mul3A_663 : f32 to vector<16xf32>
      %mul3A_665 = arith.mulf %mul3A_664, %get3A_662 : vector<16xf32>
      %mul3A_666 = arith.constant 0.00999999977 : f32
      %mul3A_667 = vector.broadcast %mul3A_666 : f32 to vector<16xf32>
      %mul3A_668 = arith.mulf %mul3A_667, %get3A_658 : vector<16xf32>
      %add3A_669 = arith.addf %mul3A_665, %mul3A_668 : vector<16xf32>
      %div3A_670 = arith.constant 1.000000e+00 : f32
      %div3A_671 = vector.broadcast %div3A_670 : f32 to vector<16xf32>
      %div3A_672 = arith.divf %div3A_671, %add3A_669 : vector<16xf32>
      %get3A_673 = arith.index_cast %add3A_654 : i32 to index
      %get3A_674 = arith.constant 0 : index
      %get3A_675 = tpu.vector_load %arg14[%get3A_673, %get3A_674] {strides = array<i32>} : memref<512x32xf32, #tpu.memory_space<vmem>>, vector<1x16xf32>,
      %get3A_676 = vector.shape_cast %get3A_675 : vector<1x16xf32> to vector<16xf32>
      %get3A_677 = arith.index_cast %add3A_654 : i32 to index
      %get3A_678 = arith.constant 0 : index
      %get3A_679 = tpu.vector_load %arg11[%get3A_677, %get3A_678] {strides = array<i32>} : memref<512x32xf32, #tpu.memory_space<vmem>>, vector<1x16xf32>,
      %get3A_680 = vector.shape_cast %get3A_679 : vector<1x16xf32> to vector<16xf32>
      %mul3A_681 = arith.constant 9.900000e-01 : f32
      %mul3A_682 = vector.broadcast %mul3A_681 : f32 to vector<16xf32>
      %mul3A_683 = arith.mulf %mul3A_682, %get3A_676 : vector<16xf32>
      %mul3A_684 = arith.constant 0.00999999977 : f32
      %mul3A_685 = vector.broadcast %mul3A_684 : f32 to vector<16xf32>
      %mul3A_686 = arith.mulf %mul3A_685, %get3A_680 : vector<16xf32>
      %add3A_687 = arith.addf %mul3A_683, %mul3A_686 : vector<16xf32>
      %mul3A_688 = arith.mulf %add3A_687, %div3A_672 : vector<16xf32>
      %swap3A_689 = arith.index_cast %add3A_654 : i32 to index
      %swap3A_690 = arith.constant 0 : index
      %swap3A_691 = tpu.vector_load %arg17[%swap3A_689, %swap3A_690] {strides = array<i32>} : memref<512x32xf32, #tpu.memory_space<vmem>>, vector<1x16xf32>,
      %swap3A_692 = vector.shape_cast %swap3A_691 : vector<1x16xf32> to vector<16xf32>
      %swap3A_693 = vector.shape_cast %mul3A_688 : vector<16xf32> to vector<1x16xf32>
      tpu.vector_store %arg17[%swap3A_689, %swap3A_690], %swap3A_693 {strides = array<i32>} : memref<512x32xf32, #tpu.memory_space<vmem>>, vector<1x16xf32>,
      %get3A_694 = arith.index_cast %add3A_654 : i32 to index
      %get3A_695 = arith.constant 16 : index
      %get3A_696 = tpu.vector_load %arg14[%get3A_694, %get3A_695] {strides = array<i32>} : memref<512x32xf32, #tpu.memory_space<vmem>>, vector<1x16xf32>,
      %get3A_697 = vector.shape_cast %get3A_696 : vector<1x16xf32> to vector<16xf32>
      %get3A_698 = arith.index_cast %add3A_654 : i32 to index
      %get3A_699 = arith.constant 16 : index
      %get3A_700 = tpu.vector_load %arg11[%get3A_698, %get3A_699] {strides = array<i32>} : memref<512x32xf32, #tpu.memory_space<vmem>>, vector<1x16xf32>,
      %get3A_701 = vector.shape_cast %get3A_700 : vector<1x16xf32> to vector<16xf32>
      %mul3A_702 = arith.constant 9.900000e-01 : f32
      %mul3A_703 = vector.broadcast %mul3A_702 : f32 to vector<16xf32>
      %mul3A_704 = arith.mulf %mul3A_703, %get3A_697 : vector<16xf32>
      %mul3A_705 = arith.constant 0.00999999977 : f32
      %mul3A_706 = vector.broadcast %mul3A_705 : f32 to vector<16xf32>
      %mul3A_707 = arith.mulf %mul3A_706, %get3A_701 : vector<16xf32>
      %add3A_708 = arith.addf %mul3A_704, %mul3A_707 : vector<16xf32>
      %mul3A_709 = arith.mulf %add3A_708, %div3A_672 : vector<16xf32>
      %swap3A_710 = arith.index_cast %add3A_654 : i32 to index
      %swap3A_711 = arith.constant 16 : index
      %swap3A_712 = tpu.vector_load %arg17[%swap3A_710, %swap3A_711] {strides = array<i32>} : memref<512x32xf32, #tpu.memory_space<vmem>>, vector<1x16xf32>,
      %swap3A_713 = vector.shape_cast %swap3A_712 : vector<1x16xf32> to vector<16xf32>
      %swap3A_714 = vector.shape_cast %mul3A_709 : vector<16xf32> to vector<1x16xf32>
      tpu.vector_store %arg17[%swap3A_710, %swap3A_711], %swap3A_714 {strides = array<i32>} : memref<512x32xf32, #tpu.memory_space<vmem>>, vector<1x16xf32>,
      %mul3A_715 = arith.constant 8 : i32
      %mul3A_716 = arith.muli %scan3A_331, %mul3A_715 : i32
      %add3A_717 = arith.constant 6 : i32
      %add3A_718 = arith.addi %mul3A_716, %add3A_717 : i32
      %get3A_719 = arith.index_cast %add3A_718 : i32 to index
      %get3A_720 = arith.constant 0 : index
      %get3A_721 = tpu.vector_load %arg16[%get3A_719, %get3A_720] {strides = array<i32>} : memref<512x16xf32, #tpu.memory_space<vmem>>, vector<1x16xf32>,
      %get3A_722 = vector.shape_cast %get3A_721 : vector<1x16xf32> to vector<16xf32>
      %get3A_723 = arith.index_cast %add3A_718 : i32 to index
      %get3A_724 = arith.constant 0 : index
      %get3A_725 = tpu.vector_load %arg15[%get3A_723, %get3A_724] {strides = array<i32>} : memref<512x16xf32, #tpu.memory_space<vmem>>, vector<1x16xf32>,
      %get3A_726 = vector.shape_cast %get3A_725 : vector<1x16xf32> to vector<16xf32>
      %mul3A_727 = arith.constant 9.900000e-01 : f32
      %mul3A_728 = vector.broadcast %mul3A_727 : f32 to vector<16xf32>
      %mul3A_729 = arith.mulf %mul3A_728, %get3A_726 : vector<16xf32>
      %mul3A_730 = arith.constant 0.00999999977 : f32
      %mul3A_731 = vector.broadcast %mul3A_730 : f32 to vector<16xf32>
      %mul3A_732 = arith.mulf %mul3A_731, %get3A_722 : vector<16xf32>
      %add3A_733 = arith.addf %mul3A_729, %mul3A_732 : vector<16xf32>
      %div3A_734 = arith.constant 1.000000e+00 : f32
      %div3A_735 = vector.broadcast %div3A_734 : f32 to vector<16xf32>
      %div3A_736 = arith.divf %div3A_735, %add3A_733 : vector<16xf32>
      %get3A_737 = arith.index_cast %add3A_718 : i32 to index
      %get3A_738 = arith.constant 0 : index
      %get3A_739 = tpu.vector_load %arg14[%get3A_737, %get3A_738] {strides = array<i32>} : memref<512x32xf32, #tpu.memory_space<vmem>>, vector<1x16xf32>,
      %get3A_740 = vector.shape_cast %get3A_739 : vector<1x16xf32> to vector<16xf32>
      %get3A_741 = arith.index_cast %add3A_718 : i32 to index
      %get3A_742 = arith.constant 0 : index
      %get3A_743 = tpu.vector_load %arg11[%get3A_741, %get3A_742] {strides = array<i32>} : memref<512x32xf32, #tpu.memory_space<vmem>>, vector<1x16xf32>,
      %get3A_744 = vector.shape_cast %get3A_743 : vector<1x16xf32> to vector<16xf32>
      %mul3A_745 = arith.constant 9.900000e-01 : f32
      %mul3A_746 = vector.broadcast %mul3A_745 : f32 to vector<16xf32>
      %mul3A_747 = arith.mulf %mul3A_746, %get3A_740 : vector<16xf32>
      %mul3A_748 = arith.constant 0.00999999977 : f32
      %mul3A_749 = vector.broadcast %mul3A_748 : f32 to vector<16xf32>
      %mul3A_750 = arith.mulf %mul3A_749, %get3A_744 : vector<16xf32>
      %add3A_751 = arith.addf %mul3A_747, %mul3A_750 : vector<16xf32>
      %mul3A_752 = arith.mulf %add3A_751, %div3A_736 : vector<16xf32>
      %swap3A_753 = arith.index_cast %add3A_718 : i32 to index
      %swap3A_754 = arith.constant 0 : index
      %swap3A_755 = tpu.vector_load %arg17[%swap3A_753, %swap3A_754] {strides = array<i32>} : memref<512x32xf32, #tpu.memory_space<vmem>>, vector<1x16xf32>,
      %swap3A_756 = vector.shape_cast %swap3A_755 : vector<1x16xf32> to vector<16xf32>
      %swap3A_757 = vector.shape_cast %mul3A_752 : vector<16xf32> to vector<1x16xf32>
      tpu.vector_store %arg17[%swap3A_753, %swap3A_754], %swap3A_757 {strides = array<i32>} : memref<512x32xf32, #tpu.memory_space<vmem>>, vector<1x16xf32>,
      %get3A_758 = arith.index_cast %add3A_718 : i32 to index
      %get3A_759 = arith.constant 16 : index
      %get3A_760 = tpu.vector_load %arg14[%get3A_758, %get3A_759] {strides = array<i32>} : memref<512x32xf32, #tpu.memory_space<vmem>>, vector<1x16xf32>,
      %get3A_761 = vector.shape_cast %get3A_760 : vector<1x16xf32> to vector<16xf32>
      %get3A_762 = arith.index_cast %add3A_718 : i32 to index
      %get3A_763 = arith.constant 16 : index
      %get3A_764 = tpu.vector_load %arg11[%get3A_762, %get3A_763] {strides = array<i32>} : memref<512x32xf32, #tpu.memory_space<vmem>>, vector<1x16xf32>,
      %get3A_765 = vector.shape_cast %get3A_764 : vector<1x16xf32> to vector<16xf32>
      %mul3A_766 = arith.constant 9.900000e-01 : f32
      %mul3A_767 = vector.broadcast %mul3A_766 : f32 to vector<16xf32>
      %mul3A_768 = arith.mulf %mul3A_767, %get3A_761 : vector<16xf32>
      %mul3A_769 = arith.constant 0.00999999977 : f32
      %mul3A_770 = vector.broadcast %mul3A_769 : f32 to vector<16xf32>
      %mul3A_771 = arith.mulf %mul3A_770, %get3A_765 : vector<16xf32>
      %add3A_772 = arith.addf %mul3A_768, %mul3A_771 : vector<16xf32>
      %mul3A_773 = arith.mulf %add3A_772, %div3A_736 : vector<16xf32>
      %swap3A_774 = arith.index_cast %add3A_718 : i32 to index
      %swap3A_775 = arith.constant 16 : index
      %swap3A_776 = tpu.vector_load %arg17[%swap3A_774, %swap3A_775] {strides = array<i32>} : memref<512x32xf32, #tpu.memory_space<vmem>>, vector<1x16xf32>,
      %swap3A_777 = vector.shape_cast %swap3A_776 : vector<1x16xf32> to vector<16xf32>
      %swap3A_778 = vector.shape_cast %mul3A_773 : vector<16xf32> to vector<1x16xf32>
      tpu.vector_store %arg17[%swap3A_774, %swap3A_775], %swap3A_778 {strides = array<i32>} : memref<512x32xf32, #tpu.memory_space<vmem>>, vector<1x16xf32>,
      %mul3A_779 = arith.constant 8 : i32
      %mul3A_780 = arith.muli %scan3A_331, %mul3A_779 : i32
      %add3A_781 = arith.constant 7 : i32
      %add3A_782 = arith.addi %mul3A_780, %add3A_781 : i32
      %get3A_783 = arith.index_cast %add3A_782 : i32 to index
      %get3A_784 = arith.constant 0 : index
      %get3A_785 = tpu.vector_load %arg16[%get3A_783, %get3A_784] {strides = array<i32>} : memref<512x16xf32, #tpu.memory_space<vmem>>, vector<1x16xf32>,
      %get3A_786 = vector.shape_cast %get3A_785 : vector<1x16xf32> to vector<16xf32>
      %get3A_787 = arith.index_cast %add3A_782 : i32 to index
      %get3A_788 = arith.constant 0 : index
      %get3A_789 = tpu.vector_load %arg15[%get3A_787, %get3A_788] {strides = array<i32>} : memref<512x16xf32, #tpu.memory_space<vmem>>, vector<1x16xf32>,
      %get3A_790 = vector.shape_cast %get3A_789 : vector<1x16xf32> to vector<16xf32>
      %mul3A_791 = arith.constant 9.900000e-01 : f32
      %mul3A_792 = vector.broadcast %mul3A_791 : f32 to vector<16xf32>
      %mul3A_793 = arith.mulf %mul3A_792, %get3A_790 : vector<16xf32>
      %mul3A_794 = arith.constant 0.00999999977 : f32
      %mul3A_795 = vector.broadcast %mul3A_794 : f32 to vector<16xf32>
      %mul3A_796 = arith.mulf %mul3A_795, %get3A_786 : vector<16xf32>
      %add3A_797 = arith.addf %mul3A_793, %mul3A_796 : vector<16xf32>
      %div3A_798 = arith.constant 1.000000e+00 : f32
      %div3A_799 = vector.broadcast %div3A_798 : f32 to vector<16xf32>
      %div3A_800 = arith.divf %div3A_799, %add3A_797 : vector<16xf32>
      %get3A_801 = arith.index_cast %add3A_782 : i32 to index
      %get3A_802 = arith.constant 0 : index
      %get3A_803 = tpu.vector_load %arg14[%get3A_801, %get3A_802] {strides = array<i32>} : memref<512x32xf32, #tpu.memory_space<vmem>>, vector<1x16xf32>,
      %get3A_804 = vector.shape_cast %get3A_803 : vector<1x16xf32> to vector<16xf32>
      %get3A_805 = arith.index_cast %add3A_782 : i32 to index
      %get3A_806 = arith.constant 0 : index
      %get3A_807 = tpu.vector_load %arg11[%get3A_805, %get3A_806] {strides = array<i32>} : memref<512x32xf32, #tpu.memory_space<vmem>>, vector<1x16xf32>,
      %get3A_808 = vector.shape_cast %get3A_807 : vector<1x16xf32> to vector<16xf32>
      %mul3A_809 = arith.constant 9.900000e-01 : f32
      %mul3A_810 = vector.broadcast %mul3A_809 : f32 to vector<16xf32>
      %mul3A_811 = arith.mulf %mul3A_810, %get3A_804 : vector<16xf32>
      %mul3A_812 = arith.constant 0.00999999977 : f32
      %mul3A_813 = vector.broadcast %mul3A_812 : f32 to vector<16xf32>
      %mul3A_814 = arith.mulf %mul3A_813, %get3A_808 : vector<16xf32>
      %add3A_815 = arith.addf %mul3A_811, %mul3A_814 : vector<16xf32>
      %mul3A_816 = arith.mulf %add3A_815, %div3A_800 : vector<16xf32>
      %swap3A_817 = arith.index_cast %add3A_782 : i32 to index
      %swap3A_818 = arith.constant 0 : index
      %swap3A_819 = tpu.vector_load %arg17[%swap3A_817, %swap3A_818] {strides = array<i32>} : memref<512x32xf32, #tpu.memory_space<vmem>>, vector<1x16xf32>,
      %swap3A_820 = vector.shape_cast %swap3A_819 : vector<1x16xf32> to vector<16xf32>
      %swap3A_821 = vector.shape_cast %mul3A_816 : vector<16xf32> to vector<1x16xf32>
      tpu.vector_store %arg17[%swap3A_817, %swap3A_818], %swap3A_821 {strides = array<i32>} : memref<512x32xf32, #tpu.memory_space<vmem>>, vector<1x16xf32>,
      %get3A_822 = arith.index_cast %add3A_782 : i32 to index
      %get3A_823 = arith.constant 16 : index
      %get3A_824 = tpu.vector_load %arg14[%get3A_822, %get3A_823] {strides = array<i32>} : memref<512x32xf32, #tpu.memory_space<vmem>>, vector<1x16xf32>,
      %get3A_825 = vector.shape_cast %get3A_824 : vector<1x16xf32> to vector<16xf32>
      %get3A_826 = arith.index_cast %add3A_782 : i32 to index
      %get3A_827 = arith.constant 16 : index
      %get3A_828 = tpu.vector_load %arg11[%get3A_826, %get3A_827] {strides = array<i32>} : memref<512x32xf32, #tpu.memory_space<vmem>>, vector<1x16xf32>,
      %get3A_829 = vector.shape_cast %get3A_828 : vector<1x16xf32> to vector<16xf32>
      %mul3A_830 = arith.constant 9.900000e-01 : f32
      %mul3A_831 = vector.broadcast %mul3A_830 : f32 to vector<16xf32>
      %mul3A_832 = arith.mulf %mul3A_831, %get3A_825 : vector<16xf32>
      %mul3A_833 = arith.constant 0.00999999977 : f32
      %mul3A_834 = vector.broadcast %mul3A_833 : f32 to vector<16xf32>
      %mul3A_835 = arith.mulf %mul3A_834, %get3A_829 : vector<16xf32>
      %add3A_836 = arith.addf %mul3A_832, %mul3A_835 : vector<16xf32>
      %mul3A_837 = arith.mulf %add3A_836, %div3A_800 : vector<16xf32>
      %swap3A_838 = arith.index_cast %add3A_782 : i32 to index
      %swap3A_839 = arith.constant 16 : index
      %swap3A_840 = tpu.vector_load %arg17[%swap3A_838, %swap3A_839] {strides = array<i32>} : memref<512x32xf32, #tpu.memory_space<vmem>>, vector<1x16xf32>,
      %swap3A_841 = vector.shape_cast %swap3A_840 : vector<1x16xf32> to vector<16xf32>
      %swap3A_842 = vector.shape_cast %mul3A_837 : vector<16xf32> to vector<1x16xf32>
      tpu.vector_store %arg17[%swap3A_838, %swap3A_839], %swap3A_842 {strides = array<i32>} : memref<512x32xf32, #tpu.memory_space<vmem>>, vector<1x16xf32>,
      %scan3A_843 = arith.constant 0 : i32
      scf.yield %scan3A_843 : i32
    }
    %scan3A_330 = arith.constant 64 : i32
    "tpu.region"() ({
      %run_scoped3A_331 = tpu.sem_alloc : memref<!tpu.dma_semaphore, #tpu.memory_space<semaphore_mem>>
      %dma_start3A_332 = tpu.memref_slice %arg6[%mul3A_0, %mul3A_2] : memref<8192x64xf32, #tpu.memory_space<hbm>> -> memref<512x32xf32, #tpu.memory_space<hbm>>
      %dma_start3A_333 = tpu.memref_slice %arg6[%mul3A_0, %mul3A_2] : memref<8192x64xf32, #tpu.memory_space<hbm>> -> memref<512x32xf32, #tpu.memory_space<hbm>>
      tpu.enqueue_dma source(%arg17 : memref<512x32xf32, #tpu.memory_space<vmem>>) target(%dma_start3A_333 : memref<512x32xf32, #tpu.memory_space<hbm>>) target_semaphore(%run_scoped3A_331 : memref<!tpu.dma_semaphore, #tpu.memory_space<semaphore_mem>>)
      %dma_wait3A_334 = tpu.memref_slice %arg6[%mul3A_0, %mul3A_2] : memref<8192x64xf32, #tpu.memory_space<hbm>> -> memref<512x32xf32, #tpu.memory_space<hbm>>
      %dma_wait3A_335 = tpu.memref_slice %arg6[%mul3A_0, %mul3A_2] : memref<8192x64xf32, #tpu.memory_space<hbm>> -> memref<512x32xf32, #tpu.memory_space<hbm>>
      tpu.wait_dma2 semaphore(%run_scoped3A_331 : memref<!tpu.dma_semaphore, #tpu.memory_space<semaphore_mem>>) src(%arg17 : memref<512x32xf32, #tpu.memory_space<vmem>>) dst(%dma_wait3A_335 : memref<512x32xf32, #tpu.memory_space<hbm>>)
      tpu.yield
    }) : () -> ()
    return
  }
}

</mosaic_0001>

<sc_bundles>
// kernel: vq_ema_update_sc.3.cloned.1.call-start
scs
__scs_entry_jumppad:
0x0: {  	(pc) =	sbr.rel $0x88, $3  }
0x1: {  	(tag) =	ssettag $0x0;
	lr =	simm.s32 $0x1  }
0x2: {  	[smem:$0x3F9D] =	sst lr;
	_ =	strace $0xD0000000  }
0x3: {  	_ = 	snop  }
0x4: {  	_ = 	snop  }
0x5: {  	_ = 	snop  }
0x6: {  	_ = 	snop  }
0x7: {  	_ = 	snop  }
__scs_overlays_trampoline_lowered:
0x8: {  	[smem:$0x3FAC] =	sst s0  }
0x9: {  	[smem:$0x3FAD] =	sst s1  }
0xa: {  	[smem:$0x3FAE] =	sst s2  }
0xb: {  	[smem:$0x3FAF] =	sst s3  }
0xc: {  	[smem:$0x3FB0] =	sst s4  }
0xd: {  	[smem:$0x3FB1] =	sst s5  }
0xe: {  	[smem:$0x3FB2] =	sst s6  }
0xf: {  	[smem:$0x3FB3] =	sst s7  }
0x10: {  	[smem:$0x3FB4] =	sst s8  }
0x11: {  	[smem:$0x3FB5] =	sst s9;
	s0 =	simm.s32 @!p0 $0x0  }
0x12: {  	s1 =	sld [smem:$0x3F9B];
	s0 =	simm.s32 @p0 $0x1  }
0x13: {  	[smem:$0x3FB6] =	sst s0;
	s0 =	simm.s32 @!p1 $0x0  }
0x14: {  	s2 =	sld [smem:$0x3F9A];
	s0 =	simm.s32 @p1 $0x1  }
0x15: {  	[smem:$0x3FB7] =	sst s0;
	s0 =	simm.s32 @!p2 $0x0  }
0x16: {  	s3 =	sld [smem:$0x3FDB];
	s0 =	simm.s32 @p2 $0x1  }
0x17: {  	s4 =	simm.s32 $0x1BF5;
	[smem:$0x3FB9] =	sst s0  }
0x18: {  	s0 =	sld [smem:$0x3F9C];
	_ =	swait.ge [sflag:s4], $0x0  }
0x19: {  	s7 =	sld [smem:$0x3F9D]  }
0x1a: {  	s8 =	sadd.s32 $0xFFFFE003, lr  }
0x1b: {  	s9 =	sadd.s32 $0xFFFFFEF7, lr;
	s5 =	simm.s32 $0xFFFFFFFF;
	p2 =	slt.u32 s8, $0xFFFFF086  }
0x1c: {  	p1 =	slt.u32 s9, $0xF7A;
	s5 =	simm.s32 @!p2 $0x0  }
0x1d: {  	s5 =	simm.s32 @p1 $0x1;
	p0 =	seq.s32 s7, s2  }
0x1e: {  	s7 =	smul.u32 @!p0 $0xF7A, s2;
	p2 =	seq.s32 @!p0 s5, $0x0  }
0x1f: {  	s9 =	smul.u32 $0xF7A, s1;
	s8 =	simm.s32 @!p0 $0x1BF5;
	p2 =	por !p2, p0  }
0x20: {  	[sflag:s8] =	ssyncset.s32 @!p0 $0xFFFFF086;
	s6 =	sadd.s32 @!p0 s3, s7;
	s7 =	simm.s32 @!p0 $0x108  }
0x21: {  	s3 =	sadd.s32 s3, s9;
	s6 =	sadd.s32 @!p0 $0x88, s6;
	s7 =	simm.s32 @p2 $0x1082  }
0x22: {  	[simem:s7], [sflag:s8] =	dma.local @!p0 [hbm:s6], $0xF7A  }
0x23: {  	s9 =	sor.u32 $0xD0000000, s2;
	s6 =	simm.s32 $0x108;
	_ =	swait.ge @!p0 [sflag:s8], $0x0  }
0x24: {  	s3 =	sadd.s32 $0x88, s3;
	s6 =	simm.s32 @!p1 $0x1082;
	[sflag:s4] =	ssyncset.s32 $0xFFFFF086  }
0x25: {  	[simem:s6], [sflag:s4] =	dma.local [hbm:s3], $0xF7A  }
0x26: {  	[smem:$0x3F9D] =	sst s1;
	(tag) =	ssettag s2;
	_ =	strace s9  }
0x27: {  	s1 =	sld [smem:$0x3FAD]  }
0x28: {  	s2 =	sld [smem:$0x3FAE]  }
0x29: {  	s4 =	sld [smem:$0x3FB0]  }
0x2a: {  	p0 =	seq.s32 s5, $0x0;
	s5 =	sld [smem:$0x3FB1]  }
0x2b: {  	s6 =	sld [smem:$0x3FB2]  }
0x2c: {  	s7 =	sld [smem:$0x3FB3]  }
0x2d: {  	s3 =	simm.s32 $0x108;
	s8 =	sld [smem:$0x3FB4]  }
0x2e: {  	s3 =	simm.s32 @!p0 $0x1082;
	s9 =	sld [smem:$0x3FB5]  }
0x2f: {  	lr =	sadd.s32 s0, s3;
	s0 =	sld [smem:$0x3FAC]  }
0x30: {  	s3 =	sld [smem:$0x3FAF]  }
0x31: {  	[smem:$0x3FB8] =	sst s10  }
0x32: {  	s10 =	sld [smem:$0x3FB6];
	_ =	sdelay $0x3  }
0x33: {  	p0 =	seq.s32 s10, $0x1;
	s10 =	sld [smem:$0x3FB8];
	_ =	sdelay $0x3  }
0x34: {  	[smem:$0x3FB8] =	sst s10  }
0x35: {  	s10 =	sld [smem:$0x3FB7];
	_ =	sdelay $0x3  }
0x36: {  	p1 =	seq.s32 s10, $0x1;
	s10 =	sld [smem:$0x3FB8];
	_ =	sdelay $0x3  }
0x37: {  	[smem:$0x3FB8] =	sst s10  }
0x38: {  	s10 =	sld [smem:$0x3FB9]  }
0x39: {  	_ = 	snop;
	(pc) =	sbr.ind lr, $3  }
0x3a: {  	_ = 	snop  }
0x3b: {  	_ = 	snop  }
0x3c: {  	p2 =	seq.s32 s10, $0x1;
	s10 =	sld [smem:$0x3FB8]  }
0x3d: {  	_ =	shalt  }
0x3e: {  	_ =	shalt  }
0x3f: {  	_ =	shalt  }
0x40: {  	_ =	shalt  }
0x41: {  	_ =	shalt  }
0x42: {  	_ =	shalt  }
0x43: {  	_ =	shalt  }
0x44: {  	_ =	shalt  }
0x45: {  	_ =	shalt  }
0x46: {  	_ =	shalt  }
0x47: {  	_ =	shalt  }
0x48: {  	_ =	shalt  }
0x49: {  	_ =	shalt  }
0x4a: {  	_ =	shalt  }
0x4b: {  	_ =	shalt  }
0x4c: {  	_ =	shalt  }
0x4d: {  	_ =	shalt  }
0x4e: {  	_ =	shalt  }
0x4f: {  	_ =	shalt  }
0x50: {  	_ =	shalt  }
0x51: {  	_ =	shalt  }
0x52: {  	_ =	shalt  }
0x53: {  	_ =	shalt  }
0x54: {  	_ =	shalt  }
0x55: {  	_ =	shalt  }
0x56: {  	_ =	shalt  }
0x57: {  	_ =	shalt  }
0x58: {  	_ =	shalt  }
0x59: {  	_ =	shalt  }
0x5a: {  	_ =	shalt  }
0x5b: {  	_ =	shalt  }
0x5c: {  	_ =	shalt  }
0x5d: {  	_ =	shalt  }
0x5e: {  	_ =	shalt  }
0x5f: {  	_ =	shalt  }
0x60: {  	_ =	shalt  }
0x61: {  	_ =	shalt  }
0x62: {  	_ =	shalt  }
0x63: {  	_ =	shalt  }
0x64: {  	_ =	shalt  }
0x65: {  	_ =	shalt  }
0x66: {  	_ =	shalt  }
0x67: {  	_ =	shalt  }
0x68: {  	_ =	shalt  }
0x69: {  	_ =	shalt  }
0x6a: {  	_ =	shalt  }
0x6b: {  	_ =	shalt  }
0x6c: {  	_ =	shalt  }
0x6d: {  	_ =	shalt  }
0x6e: {  	_ =	shalt  }
0x6f: {  	_ =	shalt  }
0x70: {  	_ =	shalt  }
0x71: {  	_ =	shalt  }
0x72: {  	_ =	shalt  }
0x73: {  	_ =	shalt  }
0x74: {  	_ =	shalt  }
0x75: {  	_ =	shalt  }
0x76: {  	_ =	shalt  }
0x77: {  	_ =	shalt  }
0x78: {  	_ =	shalt  }
0x79: {  	_ =	shalt  }
0x7a: {  	_ =	shalt  }
0x7b: {  	_ =	shalt  }
0x7c: {  	_ =	shalt  }
0x7d: {  	_ =	shalt  }
0x7e: {  	_ =	shalt  }
0x7f: {  	_ =	shalt  }
0x80: {  	_ =	shalt  }
0x81: {  	_ =	shalt  }
0x82: {  	_ =	shalt  }
0x83: {  	_ =	shalt  }
0x84: {  	_ =	shalt  }
0x85: {  	_ =	shalt  }
0x86: {  	_ =	shalt  }
0x87: {  	_ =	shalt  }
.Lfunc_end0:
.L_simem_size_0:
called_computation_lowered:
.L_overlay_start_0:
0x88: {  	s2 =	sld [smem:$0x3FD9]  }
0x89: {  	s3 =	sld [smem:$0x3FFE];
	_ =	sdelay $0x1  }
0x8a: {  	s1 =	srdreg.scid  }
0x8b: {  	s0 =	sand.u32 $0x1, s1  }
0x8c: {  	s17 =	sshll.u32 s0, $0xA;
	s2 =	sadd.s32 s3, s2  }
0x8d: {  	s2 =	sadd.s32 s2, s17  }
0x8e: {  	[smem:$0x3FC4] =	sst s2  }
0x8f: {  	_ = 	snop  }
0x90: {  	s2 =	sld [smem:$0x3FC8]  }
0x91: {  	s18 =	sld [smem:$0x3FD0];
	(tm) =	ssettm $0x1  }
0x92: {  	s4 =	sld [smem:$0x3FFB];
	_ =	sdelay $0x3  }
0x93: {  	_ =	strace s4  }
0x94: {  	s4 =	sld [smem:$0x3FFC];
	_ =	sdelay $0x3  }
0x95: {  	_ =	strace s4  }
0x96: {  	s4 =	sld [smem:$0x3FFD];
	_ =	sdelay $0x3  }
0x97: {  	_ =	strace s4  }
0x98: {  	_ =	strace $0x8FFFFFFF  }
0x99: {  	s19 =	sld [smem:$0x3FDB];
	_ =	sdelay $0x1  }
0x9a: {  	s5 =	simm.s32 $_scs_section_size  }
0x9b: {  	s6 =	simm.s32 $_size__tile_overlayer_lowered;
	s7 =	simm.s32 $_tile_overlayer_lowered  }
0x9c: {  	s22 =	simm.s32 $0x1BFF;
	s21 =	sshll.u32 s7, $0x1;
	s4 =	sadd.s32 s5, s19  }
0x9d: {  	s8 =	simm.s32 $0x0;
	s20 =	sshll.u32 s6, $0x1;
	s6 =	sadd.s32 s21, s4  }
0x9e: {  	[timem:s8], [sflag:s22] =	dma.local [hbm:s6], s20  }
0x9f: {  	_ =	swait.ge [sflag:s22], s20  }
0xa0: {  	s5 =	ssub.s32 $0x0, s20;
	[sflag:s22] =	ssyncset.done $0x0  }
0xa1: {  	[sflag:s22] =	ssyncadd.s32 s5;
	_ =	sdelay $0x1  }
0xa2: {  	s23 =	simm.s32 $0x1B8B  }
0xa3: {  	_ =	swait.ge [sflag:s23], $0x1  }
0xa4: {  	[sflag:s23] =	ssyncset.done $0x0  }
0xa5: {  	s25 =	simm.s32 $0x1B8E;
	s24 =	sld [smem:$0x3FFE];
	[sflag:s23] =	ssyncadd.s32 $0xFFFFFFFF  }
0xa6: {  	s26 =	simm.s32 $execute0_lowered;
	[smem:$0x3FD2] =	sst s25  }
0xa7: {  	s6 =	sshll.u32 s26, $0x1;
	_ =	strace $0x80000046;
	[dreg:$0x1] =	wrdreg $0xFFFFFFFF  }
0xa8: {  	s28 =	simm.s32 $_size_execute0_lowered;
	s4 =	sadd.s32 s4, s6;
	[dreg:$0x0] =	wrdreg $0x0  }
0xa9: {  	s6 =	sshll.u32 s28, $0x1;
	[dreg:$0x2] =	wrdreg s4  }
0xaa: {  	[dreg:$0x3] =	wrdreg s6  }
0xab: {  	[dreg:$0x4] =	wrdreg $0xC0  }
0xac: {  	_ =	task [dreg:s8], $0x5FFFF  }
0xad: {  	[dreg:$0x1] =	wrdreg $0xFFFFFFFF  }
0xae: {  	[dreg:$0x0] =	wrdreg $0x60  }
0xaf: {  	[dreg:$0x2] =	wrdreg s18  }
0xb0: {  	[dreg:$0x3] =	wrdreg s2  }
0xb1: {  	[dreg:$0x4] =	wrdreg s24  }
0xb2: {  	[dreg:$0x5] =	wrdreg $0x0  }
0xb3: {  	[dreg:$0x6] =	wrdreg $0x40000  }
0xb4: {  	[dreg:$0x7] =	wrdreg $0x9  }
0xb5: {  	_ =	task.clear_ibuf [dreg:s8], $0x8FFFF;
	_ =	strace $0x90000046  }
0xb6: {  	s29 =	simm.s32 $0x9;
	_ =	strace $0x80000048  }
0xb7: {  	_ =	swait.ge [sflag:s29], $0x1  }
0xb8: {  	[sflag:s29] =	ssyncadd.s32 $0xFFFFFFFF  }
0xb9: {  	_ =	strace $0x90000048  }
0xba: {  	_ =	sfence  }
0xbb: {  	s30 =	sld [smem:$0x0];
	_ =	sdelay $0x2  }
0xbc: {  	s31 =	sshll.u32 s1, $0xD;
	s1 =	sshrl.u32 s1, $0x2  }
0xbd: {  	s3 =	sand.u32 $0x4000, s31;
	s1 =	sadd.s32 s1, s30  }
0xbe: {  	s0 =	sor.u32 s3, s0;
	s1 =	sshll.u32 s1, $0x11  }
0xbf: {  	s0 =	sor.u32 s1, s0  }
0xc0: {  	s0 =	sadd.s32 $0x8F2B, s0  }
0xc1: {  	[sflag:s0] =	ssyncadd.remote.s32 $0x1  }
0xc2: {  	_ =	sfence.sel $0xFFFF  }
0xc3: {  	[dreg:$0x0] =	wrdreg $0xFFFFFFFF;
	(pc) =	sbr.abs _section_cstart, $3  }
0xc4: {  	[dreg:$0x1] =	wrdreg $0xFFFFFFFF  }
0xc5: {  	_ =	task.clear_ibuf [dreg:s8], $0x2FFFF;
	_ =	strace $0x9FFFFFFF  }
0xc6: {  	(tm) =	ssettm $0x7FFFFFFF  }
0xc7: {  	_ =	shalt  }
tec
execute0_lowered:
.L_overlay_start_1:
0x0: {  	(tag) =	ssettag $0x1  }
0x1: {  	s0 =	rddreg [dreg:$0x0]  }
0x2: {  	s3 =	rddreg [dreg:$0x1]  }
0x3: {  	s5 =	rddreg [dreg:$0x2]  }
0x4: {  	s1 =	rddreg [dreg:$0x3]  }
0x5: {  	s2 =	rddreg [dreg:$0x4];
	s4 =	simm.s32 $0x0  }
0x6: {  	s6 =	srdreg.scid;
	s13 =	stileid.u32;
	s14 =	simm.s32 $0x20  }
0x7: {  	s15 =	simm.s32 $0x40;
	s16 =	simm.s32 $0x6400;
	s17 =	simm.s32 $0x3  }
0x8: {  	s18 =	simm.s32 $0x1;
	s19 =	simm.s32 $0x80;
	s20 =	simm.s32 $0x6200  }
0x9: {  	s21 =	simm.s32 $0xE400;
	s22 =	simm.s32 $0x6280;
	s24 =	simm.s32 $0x6300  }
0xa: {  	s26 =	simm.s32 $0x6380;
	[smem:$0x7FF] =	sst s4;
	s6 =	sand.u32 $0x1, s6  }
0xb: {  	s7 =	sshll.u32 s13, $0xF;
	s9 =	sshll.u32 s13, $0xA;
	s29 =	sshll.u32 s13, $0x6  }
0xc: {  	s30 =	sshll.u32 s13, $0xE;
	_ =	strace $0x80000047;
	s8 =	sshll.u32 s6, $0x5  }
0xd: {  	s6 =	ssub.s32 $0x2, s6;
	s10 =	sadd.s32 s9, s5;
	s31 =	sshrl.u32 s7, $0x2  }
0xe: {  	s8 =	sor.u32 s8, s7;
	s28 =	sshrl.u32 s6, $0x1;
	s7 =	sadd.s32 s30, s1  }
0xf: {  	s10 =	sadd.s32 $0x800, s10;
	s8 =	sshrl.u32 s8, $0x3;
	s12 =	ssub.s32 s6, s28  }
0x10: {  	s11 =	sadd.s32 s8, s5;
	s5 =	sadd.s32 s3, s29;
	s6 =	sadd.s32 s0, s8  }
0x11: {  	s8 =	sadd.s32 s31, s2;
	s12 =	smax.u32 s12, $0x1;
	s0 =	simm.s32 $0x2  }
0x12: {  	v0 =	vimm.f32 $0.0e+00;
	v1 =	vimm.f32 $1.000000000e+00;
	s3 =	simm.s32 $0x16C00;
	s9 =	sadd.s32 $0x4800, s11;
	s11 =	sadd.s32 $0x14800, s11  }
.LBB2_1:
0x13: {  	s23 =	simm.s32 $0xC400  }
0x14: {  	[tilespmem:s23+$0xFFFFE000] =	vst v0  }
0x15: {  	[tilespmem:s23+$0x1010] =	vst v0  }
0x16: {  	[tilespmem:s23+$0x1000] =	vst v0  }
0x17: {  	[tilespmem:s23+$0x10] =	vst v0  }
0x18: {  	[tilespmem:s23+$0x0] =	vst v0  }
0x19: {  	[tilespmem:s23+$0xFFFFF010] =	vst v0  }
0x1a: {  	[tilespmem:s23+$0xFFFFF000] =	vst v0  }
0x1b: {  	s28 =	simm.s32 $0x0;
	[tilespmem:s23+$0xFFFFE010] =	vst v0  }
0x1c: {  	[tilespmem:s28+$0xE400] =	vst v1  }
0x1d: {  	[tilespmem:s23+$0x1030] =	vst v0  }
0x1e: {  	[tilespmem:s23+$0x1020] =	vst v0  }
0x1f: {  	[tilespmem:s23+$0x30] =	vst v0  }
0x20: {  	[tilespmem:s23+$0x20] =	vst v0  }
0x21: {  	[tilespmem:s23+$0xFFFFF030] =	vst v0  }
0x22: {  	[tilespmem:s23+$0xFFFFF020] =	vst v0  }
0x23: {  	[tilespmem:s23+$0xFFFFE020] =	vst v0  }
0x24: {  	[tilespmem:s23+$0xFFFFE030] =	vst v0  }
0x25: {  	s25 =	simm.s32 $0x100;
	[tilespmem:s28+$0xE410] =	vst v1  }
0x26: {  	s29 =	simm.s32 $0x200;
	s30 =	simm.s32 $0xC480;
	s13 =	simm.s32 $0xC480;
	[tilespmem:s23+$0x1050] =	vst v0  }
.LBB2_2:
0x27: {  	p0 =	sne.s32 s29, $0x1F00  }
0x28: {  	s30 =	sadd.s32 $0x80, s30;
	[tilespmem:s23+$0x1040] =	vst v0;
	s31 =	smov.u32 s29;
	s29 =	sadd.s32 $0x100, s29  }
0x29: {  	[tilespmem:s23+$0xFFFFF040] =	vst v0  }
0x2a: {  	[tilespmem:s23+$0x50] =	vst v0  }
0x2b: {  	[tilespmem:s23+$0xFFFFE040] =	vst v0  }
0x2c: {  	[tilespmem:s23+$0xFFFFE050] =	vst v0  }
0x2d: {  	[tilespmem:s23+$0x40] =	vst v0  }
0x2e: {  	[tilespmem:s23+$0xFFFFF050] =	vst v0  }
0x2f: {  	[tilespmem:s28+$0xE420] =	vst v1  }
0x30: {  	[tilespmem:s23+$0xFFFFE060] =	vst v0  }
0x31: {  	[tilespmem:s23+$0xFFFFE070] =	vst v0  }
0x32: {  	[tilespmem:s23+$0xFFFFF060] =	vst v0  }
0x33: {  	[tilespmem:s23+$0x60] =	vst v0  }
0x34: {  	[tilespmem:s23+$0x70] =	vst v0  }
0x35: {  	[tilespmem:s23+$0x1060] =	vst v0  }
0x36: {  	[tilespmem:s23+$0x1070] =	vst v0  }
0x37: {  	[tilespmem:s23+$0xFFFFF070] =	vst v0;
	s23 =	smov.u32 s13;
	s13 =	smov.u32 s30  }
0x38: {  	[tilespmem:s28+$0xE430] =	vst v1  }
0x39: {  	[tilespmem:s23+$0xFFFFE000] =	vst v0  }
0x3a: {  	[tilespmem:s23+$0x1010] =	vst v0  }
0x3b: {  	[tilespmem:s23+$0x1000] =	vst v0  }
0x3c: {  	[tilespmem:s23+$0x10] =	vst v0  }
0x3d: {  	[tilespmem:s23+$0x0] =	vst v0  }
0x3e: {  	[tilespmem:s23+$0xFFFFF010] =	vst v0  }
0x3f: {  	[tilespmem:s23+$0xFFFFF000] =	vst v0  }
0x40: {  	s28 =	sshra.s32 s25, $0x2;
	s25 =	smov.u32 s31;
	[tilespmem:s23+$0xFFFFE010] =	vst v0  }
0x41: {  	[tilespmem:s28+$0xE400] =	vst v1  }
0x42: {  	[tilespmem:s23+$0x1030] =	vst v0  }
0x43: {  	[tilespmem:s23+$0x1020] =	vst v0  }
0x44: {  	[tilespmem:s23+$0x30] =	vst v0  }
0x45: {  	[tilespmem:s23+$0x20] =	vst v0  }
0x46: {  	[tilespmem:s23+$0xFFFFF030] =	vst v0  }
.Ltmp0:
0x47: {  	[tilespmem:s23+$0xFFFFF020] =	vst v0;
	(pc) =	sbr.rel @p0 .LBB2_2-.Ltmp0, $4  }
0x48: {  	[tilespmem:s23+$0xFFFFE020] =	vst v0  }
0x49: {  	[tilespmem:s23+$0xFFFFE030] =	vst v0  }
0x4a: {  	[tilespmem:s28+$0xE410] =	vst v1  }
0x4b: {  	[tilespmem:s23+$0x1050] =	vst v0  }
0x4c: {  	[tilespmem:s23+$0x1040] =	vst v0  }
0x4d: {  	[tilespmem:s23+$0xFFFFF040] =	vst v0  }
0x4e: {  	[tilespmem:s23+$0x50] =	vst v0  }
0x4f: {  	[tilespmem:s23+$0xFFFFE040] =	vst v0  }
0x50: {  	[tilespmem:s23+$0xFFFFE050] =	vst v0  }
0x51: {  	[tilespmem:s23+$0x40] =	vst v0  }
0x52: {  	[tilespmem:s23+$0xFFFFF050] =	vst v0  }
0x53: {  	[tilespmem:s28+$0xE420] =	vst v1  }
0x54: {  	[tilespmem:s23+$0xFFFFE060] =	vst v0  }
0x55: {  	[tilespmem:s23+$0xFFFFE070] =	vst v0  }
0x56: {  	[tilespmem:s23+$0xFFFFF060] =	vst v0  }
0x57: {  	[tilespmem:s23+$0x60] =	vst v0  }
0x58: {  	[tilespmem:s23+$0x70] =	vst v0  }
0x59: {  	[tilespmem:s23+$0x1060] =	vst v0  }
0x5a: {  	[tilespmem:s23+$0x1070] =	vst v0  }
0x5b: {  	[tilespmem:s23+$0xFFFFF070] =	vst v0  }
0x5c: {  	[tilespmem:s28+$0xE430] =	vst v1  }
0x5d: {  	[tilespmem:s13+$0xFFFFE000] =	vst v0  }
0x5e: {  	[tilespmem:s13+$0x1010] =	vst v0  }
0x5f: {  	[tilespmem:s13+$0x1000] =	vst v0  }
0x60: {  	[tilespmem:s13+$0x10] =	vst v0  }
0x61: {  	[tilespmem:s13+$0x0] =	vst v0  }
0x62: {  	[tilespmem:s13+$0xFFFFF010] =	vst v0  }
0x63: {  	[tilespmem:s13+$0xFFFFF000] =	vst v0  }
0x64: {  	s28 =	sshra.s32 s25, $0x2;
	[tilespmem:s13+$0xFFFFE010] =	vst v0  }
0x65: {  	[tilespmem:s28+$0xE400] =	vst v1  }
0x66: {  	[tilespmem:s13+$0x1030] =	vst v0  }
0x67: {  	[tilespmem:s13+$0x1020] =	vst v0  }
0x68: {  	[tilespmem:s13+$0x30] =	vst v0  }
0x69: {  	[tilespmem:s13+$0x20] =	vst v0  }
0x6a: {  	[tilespmem:s13+$0xFFFFF030] =	vst v0  }
0x6b: {  	[tilespmem:s13+$0xFFFFF020] =	vst v0  }
0x6c: {  	[tilespmem:s13+$0xFFFFE020] =	vst v0  }
0x6d: {  	[tilespmem:s13+$0xFFFFE030] =	vst v0  }
0x6e: {  	[tilespmem:s28+$0xE410] =	vst v1  }
0x6f: {  	[tilespmem:s13+$0x1050] =	vst v0  }
0x70: {  	[tilespmem:s13+$0x1040] =	vst v0  }
0x71: {  	[tilespmem:s13+$0xFFFFF040] =	vst v0  }
0x72: {  	[tilespmem:s13+$0x50] =	vst v0  }
0x73: {  	[tilespmem:s13+$0xFFFFE040] =	vst v0  }
0x74: {  	[tilespmem:s13+$0xFFFFE050] =	vst v0  }
0x75: {  	[tilespmem:s13+$0x40] =	vst v0  }
0x76: {  	[tilespmem:s13+$0xFFFFF050] =	vst v0  }
0x77: {  	[tilespmem:s28+$0xE420] =	vst v1  }
0x78: {  	[tilespmem:s13+$0xFFFFE060] =	vst v0  }
0x79: {  	[tilespmem:s13+$0xFFFFE070] =	vst v0  }
0x7a: {  	[tilespmem:s13+$0xFFFFF060] =	vst v0  }
0x7b: {  	[tilespmem:s13+$0x60] =	vst v0  }
0x7c: {  	[tilespmem:s13+$0x70] =	vst v0  }
0x7d: {  	[tilespmem:s13+$0x1060] =	vst v0  }
0x7e: {  	[tilespmem:s13+$0x1070] =	vst v0  }
0x7f: {  	[tilespmem:s13+$0xFFFFF070] =	vst v0  }
0x80: {  	s29 =	simm.s32 $0x0;
	s30 =	simm.s32 $0x6000;
	[tilespmem:s28+$0xE430] =	vst v1  }
0x81: {  	[tilespmem:s30], [sflag:$0x1] =	stream.linear.gather [hbm4b:s5+s29], $0x200, $0x38;
	[tilespmem:$0x1AC00] =	vst v63  }
0x82: {  	_ = 	snop  }
0x83: {  	[tilespmem:s16], [sflag:$0x1] =	stream.strided.gather [hbm4b:s6+s14], $0x4000, s15, s14, $0x38;
	[tilespmem:$0x1AC00] =	vst v63  }
0x84: {  	s13 =	simm.s32 $0xA400  }
0x85: {  	[spmem:s7] =	stream.linear.scatter [tilespmem:s13], [sflag:$0x3], $0x4000, $0x38;
	[tilespmem:$0x1AC00] =	vst v63  }
0x86: {  	_ =	swait.ge [sflag:s17], $0x4000  }
0x87: {  	[sflag:s17] =	ssyncset.done $0x0  }
0x88: {  	s31 =	sadd.s32 $0x0, s8;
	s23 =	simm.s32 $0x40;
	[sflag:s17] =	ssyncadd.s32 $0xFFFFC000  }
0x89: {  	[spmem:s31] =	stream.linear.scatter [tilespmem:s13], [sflag:$0x3], $0x10, $0x38;
	[tilespmem:$0x1AC00] =	vst v63  }
.LBB2_4:
0x8a: {  	p0 =	sne.s32 s23, $0x7FC0  }
.Ltmp1:
0x8b: {  	_ = 	snop;
	(pc) =	sbr.rel @p0 .LBB2_4-.Ltmp1, $4  }
0x8c: {  	_ = 	snop  }
0x8d: {  	s25 =	sshra.s32 s23, $0x2;
	s23 =	sadd.s32 $0x40, s23  }
0x8e: {  	s13 =	sadd.s32 $0x20, s13;
	s25 =	sadd.s32 s25, s8  }
0x8f: {  	[spmem:s25] =	stream.linear.scatter [tilespmem:s13], [sflag:$0x3], $0x10, $0x38;
	[tilespmem:$0x1AC00] =	vst v63  }
0x90: {  	_ =	swait.ge [sflag:s17], $0x2000  }
0x91: {  	[sflag:s17] =	ssyncset.done $0x0  }
0x92: {  	[sflag:s17] =	ssyncadd.s32 $0xFFFFE000  }
0x93: {  	_ =	swait.ge [sflag:s18], $0x200  }
0x94: {  	[sflag:s18] =	ssyncset.done $0x0  }
0x95: {  	[sflag:s18] =	ssyncadd.s32 $0xFFFFFE00  }
0x96: {  	_ =	swait.ge [sflag:s18], $0x4000  }
0x97: {  	[sflag:s18] =	ssyncset.done $0x0  }
0x98: {  	[sflag:s18] =	ssyncadd.s32 $0xFFFFC000  }
0x99: {  	v2 =	vld [tilespmem:$0x6000]  }
0x9a: {  	v3 =	vld [tilespmem:$0x6010]  }
0x9b: {  	v4 =	vld [tilespmem:$0x6020]  }
0x9c: {  	v5 =	vld [tilespmem:$0x6030]  }
0x9d: {  	v6 =	vld [tilespmem:$0x6040]  }
0x9e: {  	[tilespmem:$0x6200] =	vst v2;
	v2 =	vld [tilespmem:$0x6050]  }
0x9f: {  	[tilespmem:$0x6210] =	vst v3;
	v3 =	vld [tilespmem:$0x6060]  }
0xa0: {  	[tilespmem:$0x6220] =	vst v4;
	v4 =	vld [tilespmem:$0x6070]  }
0xa1: {  	[tilespmem:$0x6230] =	vst v5;
	v5 =	vld [tilespmem:$0x6080]  }
0xa2: {  	[tilespmem:$0x6240] =	vst v6;
	v6 =	vld [tilespmem:$0x6090]  }
0xa3: {  	[tilespmem:$0x6250] =	vst v2;
	v2 =	vld [tilespmem:$0x60A0]  }
0xa4: {  	[tilespmem:$0x6260] =	vst v3;
	v3 =	vld [tilespmem:$0x60B0]  }
0xa5: {  	[tilespmem:$0x6270] =	vst v4;
	v4 =	vld [tilespmem:$0x60C0]  }
0xa6: {  	[tilespmem:$0x6280] =	vst v5;
	v5 =	vld [tilespmem:$0x60D0]  }
0xa7: {  	[tilespmem:$0x6290] =	vst v6;
	v6 =	vld [tilespmem:$0x60E0]  }
0xa8: {  	[tilespmem:$0x62A0] =	vst v2;
	v2 =	vld [tilespmem:$0x60F0]  }
0xa9: {  	[tilespmem:$0x62B0] =	vst v3;
	v3 =	vld [tilespmem:$0x6100]  }
0xaa: {  	[tilespmem:$0x62C0] =	vst v4;
	v4 =	vld [tilespmem:$0x6110]  }
0xab: {  	[tilespmem:$0x62D0] =	vst v5;
	v5 =	vld [tilespmem:$0x6120]  }
0xac: {  	[tilespmem:$0x62E0] =	vst v6;
	v6 =	vld [tilespmem:$0x6130]  }
0xad: {  	[tilespmem:$0x62F0] =	vst v2;
	v2 =	vld [tilespmem:$0x6140]  }
0xae: {  	[tilespmem:$0x6300] =	vst v3;
	v3 =	vld [tilespmem:$0x6150]  }
0xaf: {  	[tilespmem:$0x6310] =	vst v4;
	v4 =	vld [tilespmem:$0x6160]  }
0xb0: {  	[tilespmem:$0x6320] =	vst v5;
	v5 =	vld [tilespmem:$0x6170]  }
0xb1: {  	[tilespmem:$0x6330] =	vst v6;
	v6 =	vld [tilespmem:$0x6180]  }
0xb2: {  	[tilespmem:$0x6340] =	vst v2;
	v2 =	vld [tilespmem:$0x6190]  }
0xb3: {  	[tilespmem:$0x6350] =	vst v3;
	v3 =	vld [tilespmem:$0x61A0]  }
0xb4: {  	[tilespmem:$0x6360] =	vst v4;
	v4 =	vld [tilespmem:$0x61B0]  }
0xb5: {  	[tilespmem:$0x6370] =	vst v5;
	v5 =	vld [tilespmem:$0x61C0]  }
0xb6: {  	[tilespmem:$0x6380] =	vst v6;
	v6 =	vld [tilespmem:$0x61D0]  }
0xb7: {  	[tilespmem:$0x6390] =	vst v2;
	v2 =	vld [tilespmem:$0x61E0]  }
0xb8: {  	[tilespmem:$0x63A0] =	vst v3;
	v3 =	vld [tilespmem:$0x61F0]  }
0xb9: {  	[tilespmem:$0x63B0] =	vst v4  }
0xba: {  	[tilespmem:$0x63C0] =	vst v5  }
0xbb: {  	[tilespmem:$0x63D0] =	vst v6  }
0xbc: {  	[tilespmem:$0x63E0] =	vst v2  }
0xbd: {  	[tilespmem:$0x63F0] =	vst v3  }
0xbe: {  	[bflag:$0x0] =	sbarrier.arrive $0xFFFF  }
0xbf: {  	[spmem:s1] =	stream.indirect.scatter.add.f32 [tilespmem:s16], [sflag:$0x3], $0x20, s20, s19, $0xb8;
	[tilespmem:$0x1AC00] =	vst v63  }
0xc0: {  	_ =	swait.ge [sflag:s17], $0x1000  }
0xc1: {  	[sflag:s17] =	ssyncset.done $0x0  }
0xc2: {  	[sflag:s17] =	ssyncadd.s32 $0xFFFFF000  }
0xc3: {  	[spmem:s2] =	stream.indirect.scatter.add.f32 [tilespmem:s21], [sflag:$0x3], $0x10, s20, s19, $0xb8;
	[tilespmem:$0x1AC00] =	vst v63  }
0xc4: {  	_ =	swait.ge [sflag:s17], $0x800  }
0xc5: {  	[sflag:s17] =	ssyncset.done $0x0  }
0xc6: {  	s13 =	simm.s32 $0x7400;
	[sflag:s17] =	ssyncadd.s32 $0xFFFFF800  }
0xc7: {  	[spmem:s1] =	stream.indirect.scatter.add.f32 [tilespmem:s13], [sflag:$0x3], $0x20, s22, s19, $0xb8;
	[tilespmem:$0x1AC00] =	vst v63  }
0xc8: {  	_ =	swait.ge [sflag:s17], $0x1000  }
0xc9: {  	[sflag:s17] =	ssyncset.done $0x0  }
0xca: {  	[sflag:s17] =	ssyncadd.s32 $0xFFFFF000  }
0xcb: {  	[spmem:s2] =	stream.indirect.scatter.add.f32 [tilespmem:s21], [sflag:$0x3], $0x10, s22, s19, $0xb8;
	[tilespmem:$0x1AC00] =	vst v63  }
0xcc: {  	_ =	swait.ge [sflag:s17], $0x800  }
0xcd: {  	[sflag:s17] =	ssyncset.done $0x0  }
0xce: {  	s23 =	simm.s32 $0x8400;
	[sflag:s17] =	ssyncadd.s32 $0xFFFFF800  }
0xcf: {  	[spmem:s1] =	stream.indirect.scatter.add.f32 [tilespmem:s23], [sflag:$0x3], $0x20, s24, s19, $0xb8;
	[tilespmem:$0x1AC00] =	vst v63  }
0xd0: {  	_ =	swait.ge [sflag:s17], $0x1000  }
0xd1: {  	[sflag:s17] =	ssyncset.done $0x0  }
0xd2: {  	[sflag:s17] =	ssyncadd.s32 $0xFFFFF000  }
0xd3: {  	[spmem:s2] =	stream.indirect.scatter.add.f32 [tilespmem:s21], [sflag:$0x3], $0x10, s24, s19, $0xb8;
	[tilespmem:$0x1AC00] =	vst v63  }
0xd4: {  	_ =	swait.ge [sflag:s17], $0x800  }
0xd5: {  	[sflag:s17] =	ssyncset.done $0x0  }
0xd6: {  	s25 =	simm.s32 $0x9400;
	[sflag:s17] =	ssyncadd.s32 $0xFFFFF800  }
0xd7: {  	[spmem:s1] =	stream.indirect.scatter.add.f32 [tilespmem:s25], [sflag:$0x3], $0x20, s26, s19, $0xb8;
	[tilespmem:$0x1AC00] =	vst v63  }
0xd8: {  	_ =	swait.ge [sflag:s17], $0x1000  }
0xd9: {  	[sflag:s17] =	ssyncset.done $0x0  }
0xda: {  	[sflag:s17] =	ssyncadd.s32 $0xFFFFF000  }
0xdb: {  	[spmem:s2] =	stream.indirect.scatter.add.f32 [tilespmem:s21], [sflag:$0x3], $0x10, s26, s19, $0xb8;
	[tilespmem:$0x1AC00] =	vst v63  }
0xdc: {  	_ =	swait.ge [sflag:s17], $0x800  }
0xdd: {  	[sflag:s17] =	ssyncset.done $0x0  }
0xde: {  	[sflag:s17] =	ssyncadd.s32 $0xFFFFF800  }
0xdf: {  	s29 =	simm.s32 $0xEC00;
	[bflag:$0x0] =	sbarrier.arrive $0xFFFF  }
0xe0: {  	[tilespmem:s29], [sflag:$0x2] =	stream.strided.gather [hbm4b:s9+s14], $0x4000, s15, s14, $0x38;
	[tilespmem:$0x1AC00] =	vst v63  }
0xe1: {  	s30 =	simm.s32 $0x0;
	s23 =	simm.s32 $0x12C00  }
0xe2: {  	[tilespmem:s23], [sflag:$0x2] =	stream.linear.gather [hbm4b:s10+s30], $0x2000, $0x38;
	[tilespmem:$0x1AC00] =	vst v63  }
0xe3: {  	_ = 	snop  }
0xe4: {  	[tilespmem:s16], [sflag:$0x3] =	stream.linear.gather [spmem:s7], $0x4000, $0x38;
	[tilespmem:$0x1AC00] =	vst v63  }
0xe5: {  	_ =	swait.ge [sflag:s17], $0x4000  }
0xe6: {  	[sflag:s17] =	ssyncset.done $0x0  }
0xe7: {  	s31 =	simm.s32 $0x14C00;
	[sflag:s17] =	ssyncadd.s32 $0xFFFFC000  }
0xe8: {  	[tilespmem:s31], [sflag:$0x3] =	stream.linear.gather [spmem:s8], $0x2000, $0x38;
	[tilespmem:$0x1AC00] =	vst v63  }
0xe9: {  	_ =	swait.ge [sflag:s17], $0x2000  }
0xea: {  	[sflag:s17] =	ssyncset.done $0x0  }
0xeb: {  	[sflag:s17] =	ssyncadd.s32 $0xFFFFE000  }
0xec: {  	_ =	swait.ge [sflag:s0], $0x4000  }
0xed: {  	[sflag:s0] =	ssyncset.done $0x0  }
0xee: {  	[sflag:s0] =	ssyncadd.s32 $0xFFFFC000  }
0xef: {  	_ =	swait.ge [sflag:s0], $0x2000  }
0xf0: {  	[sflag:s0] =	ssyncset.done $0x0  }
0xf1: {  	s13 =	simm.s32 $0x12C40;
	[sflag:s0] =	ssyncadd.s32 $0xFFFFE000  }
0xf2: {  	s23 =	simm.s32 $0x14C40;
	v2 =	vld [tilespmem:s13+$0xFFFFFFC0]  }
0xf3: {  	v3 =	vld [tilespmem:s23+$0xFFFFFFC0];
	_ =	sdelay $0x4  }
0xf4: {  	v2 =	vmul.f32 $9.900000090e-01, v2;
	v3 =	vmul.f32 $9.999999770e-03, v3;
	_ =	sdelay $0x1  }
0xf5: {  	s25 =	simm.s32 $0x0;
	v2 =	vadd.f32 v2, v3  }
0xf6: {  	v4 =	vld [tilespmem:s25+$0x6410]  }
0xf7: {  	v6 =	vld [tilespmem:s25+$0x6400];
	(erf) = vrcp.f32 v2  }
0xf8: {  	v3 =	vld [tilespmem:s25+$0xEC00]  }
0xf9: {  	v5 =	vld [tilespmem:s25+$0xEC10];
	_ =	sdelay $0x3  }
0xfa: {  	v6 =	vmul.f32 $9.999999770e-03, v6;
	v3 =	vmul.f32 $9.900000090e-01, v3  }
0xfb: {  	v4 =	vmul.f32 $9.999999770e-03, v4;
	v5 =	vmul.f32 $9.900000090e-01, v5  }
0xfc: {  	v3 =	vadd.f32 v6, v3  }
0xfd: {  	v4 =	vadd.f32 v4, v5;
	v14 =	vpop (erf)  }
0xfe: {  	v3 =	vmul.f32 v3, v14  }
0xff: {  	v4 =	vmul.f32 v4, v14  }
0x100: {  	[tilespmem:s25+$0x16C00] =	vst v3  }
0x101: {  	[tilespmem:s25+$0x16C10] =	vst v4  }
0x102: {  	v4 =	vld [tilespmem:s23+$0xFFFFFFD0]  }
0x103: {  	v59 =	vld [tilespmem:s13+$0xFFFFFFD0];
	_ =	sdelay $0x4  }
0x104: {  	v4 =	vmul.f32 $9.999999770e-03, v4;
	v14 =	vmul.f32 $9.900000090e-01, v59;
	_ =	sdelay $0x1  }
0x105: {  	v4 =	vadd.f32 v14, v4  }
0x106: {  	v7 =	vld [tilespmem:s25+$0x6420]  }
0x107: {  	v8 =	vld [tilespmem:s25+$0xEC30];
	(erf) = vrcp.f32 v4  }
0x108: {  	v2 =	vld [tilespmem:s25+$0xEC20]  }
0x109: {  	v9 =	vld [tilespmem:s25+$0x6430];
	_ =	sdelay $0x3  }
0x10a: {  	v7 =	vmul.f32 $9.999999770e-03, v7;
	v2 =	vmul.f32 $9.900000090e-01, v2  }
0x10b: {  	v8 =	vmul.f32 $9.900000090e-01, v8;
	v9 =	vmul.f32 $9.999999770e-03, v9  }
0x10c: {  	v2 =	vadd.f32 v7, v2  }
0x10d: {  	v8 =	vadd.f32 v9, v8;
	v26 =	vpop (erf)  }
0x10e: {  	v28 =	vmul.f32 v2, v26  }
0x10f: {  	v8 =	vmul.f32 v8, v26  }
0x110: {  	[tilespmem:s25+$0x16C20] =	vst v28  }
0x111: {  	[tilespmem:s25+$0x16C30] =	vst v8  }
0x112: {  	v8 =	vld [tilespmem:s23+$0xFFFFFFE0]  }
0x113: {  	v62 =	vld [tilespmem:s13+$0xFFFFFFE0];
	_ =	sdelay $0x4  }
0x114: {  	v8 =	vmul.f32 $9.999999770e-03, v8;
	v26 =	vmul.f32 $9.900000090e-01, v62;
	_ =	sdelay $0x1  }
0x115: {  	v8 =	vadd.f32 v26, v8  }
0x116: {  	v10 =	vld [tilespmem:s25+$0xEC40]  }
0x117: {  	v12 =	vld [tilespmem:s25+$0xEC50];
	(erf) = vrcp.f32 v8  }
0x118: {  	v6 =	vld [tilespmem:s25+$0x6450]  }
0x119: {  	v11 =	vld [tilespmem:s25+$0x6440];
	_ =	sdelay $0x3  }
0x11a: {  	v6 =	vmul.f32 $9.999999770e-03, v6;
	v8 =	vmul.f32 $9.900000090e-01, v12  }
0x11b: {  	v10 =	vmul.f32 $9.900000090e-01, v10;
	v11 =	vmul.f32 $9.999999770e-03, v11  }
0x11c: {  	v6 =	vadd.f32 v6, v8  }
0x11d: {  	v8 =	vadd.f32 v11, v10;
	v63 =	vpop (erf)  }
0x11e: {  	v6 =	vmul.f32 v6, v63  }
0x11f: {  	v8 =	vmul.f32 v8, v63  }
0x120: {  	[tilespmem:s25+$0x16C50] =	vst v6  }
0x121: {  	[tilespmem:s25+$0x16C40] =	vst v8  }
0x122: {  	v6 =	vld [tilespmem:s23+$0xFFFFFFF0]  }
0x123: {  	v8 =	vld [tilespmem:s13+$0xFFFFFFF0];
	_ =	sdelay $0x4  }
0x124: {  	v6 =	vmul.f32 $9.999999770e-03, v6;
	v8 =	vmul.f32 $9.900000090e-01, v8;
	_ =	sdelay $0x1  }
0x125: {  	v6 =	vadd.f32 v8, v6  }
0x126: {  	v13 =	vld [tilespmem:s25+$0xEC60]  }
0x127: {  	v15 =	vld [tilespmem:s25+$0xEC70];
	(erf) = vrcp.f32 v6  }
0x128: {  	v5 =	vld [tilespmem:s25+$0x6460]  }
0x129: {  	v3 =	vld [tilespmem:s25+$0x6470];
	_ =	sdelay $0x2  }
0x12a: {  	v6 =	vmul.f32 $9.900000090e-01, v13  }
0x12b: {  	v5 =	vmul.f32 $9.999999770e-03, v5  }
0x12c: {  	v3 =	vmul.f32 $9.999999770e-03, v3;
	v8 =	vmul.f32 $9.900000090e-01, v15  }
0x12d: {  	v5 =	vadd.f32 v5, v6  }
0x12e: {  	v3 =	vadd.f32 v3, v8;
	v6 =	vpop (erf)  }
0x12f: {  	v5 =	vmul.f32 v5, v6  }
0x130: {  	v3 =	vmul.f32 v3, v6  }
0x131: {  	[tilespmem:s25+$0x16C60] =	vst v5  }
0x132: {  	[tilespmem:s25+$0x16C70] =	vst v3  }
0x133: {  	v3 =	vld [tilespmem:s23+$0x0]  }
0x134: {  	v5 =	vld [tilespmem:s13+$0x0];
	_ =	sdelay $0x4  }
0x135: {  	v3 =	vmul.f32 $9.999999770e-03, v3;
	v5 =	vmul.f32 $9.900000090e-01, v5;
	_ =	sdelay $0x1  }
0x136: {  	v3 =	vadd.f32 v5, v3  }
0x137: {  	v16 =	vld [tilespmem:s25+$0xEC80]  }
0x138: {  	v18 =	vld [tilespmem:s25+$0xEC90];
	(erf) = vrcp.f32 v3  }
0x139: {  	v17 =	vld [tilespmem:s25+$0x6480]  }
0x13a: {  	v60 =	vld [tilespmem:s25+$0x6490];
	_ =	sdelay $0x2  }
0x13b: {  	v6 =	vmul.f32 $9.900000090e-01, v18  }
0x13c: {  	v5 =	vmul.f32 $9.900000090e-01, v16;
	v3 =	vmul.f32 $9.999999770e-03, v17  }
0x13d: {  	v8 =	vmul.f32 $9.999999770e-03, v60  }
0x13e: {  	v3 =	vadd.f32 v3, v5  }
0x13f: {  	v5 =	vadd.f32 v8, v6;
	v6 =	vpop (erf)  }
0x140: {  	v3 =	vmul.f32 v3, v6  }
0x141: {  	v5 =	vmul.f32 v5, v6  }
0x142: {  	[tilespmem:s25+$0x16C80] =	vst v3  }
0x143: {  	[tilespmem:s25+$0x16C90] =	vst v5  }
0x144: {  	v3 =	vld [tilespmem:s23+$0x10]  }
0x145: {  	v5 =	vld [tilespmem:s13+$0x10];
	_ =	sdelay $0x4  }
0x146: {  	v3 =	vmul.f32 $9.999999770e-03, v3;
	v5 =	vmul.f32 $9.900000090e-01, v5;
	_ =	sdelay $0x1  }
0x147: {  	v3 =	vadd.f32 v5, v3  }
0x148: {  	v19 =	vld [tilespmem:s25+$0xECA0]  }
0x149: {  	v20 =	vld [tilespmem:s25+$0xECB0];
	(erf) = vrcp.f32 v3  }
0x14a: {  	v4 =	vld [tilespmem:s25+$0x64A0]  }
0x14b: {  	v21 =	vld [tilespmem:s25+$0x64B0];
	_ =	sdelay $0x2  }
0x14c: {  	v5 =	vmul.f32 $9.900000090e-01, v20  }
0x14d: {  	v4 =	vmul.f32 $9.999999770e-03, v4;
	v3 =	vmul.f32 $9.900000090e-01, v19  }
0x14e: {  	v6 =	vmul.f32 $9.999999770e-03, v21  }
0x14f: {  	v3 =	vadd.f32 v4, v3  }
0x150: {  	v4 =	vadd.f32 v6, v5;
	v5 =	vpop (erf)  }
0x151: {  	v3 =	vmul.f32 v3, v5  }
0x152: {  	v4 =	vmul.f32 v4, v5  }
0x153: {  	[tilespmem:s25+$0x16CA0] =	vst v3  }
0x154: {  	[tilespmem:s25+$0x16CB0] =	vst v4  }
0x155: {  	v3 =	vld [tilespmem:s23+$0x20]  }
0x156: {  	v4 =	vld [tilespmem:s13+$0x20];
	_ =	sdelay $0x4  }
0x157: {  	v3 =	vmul.f32 $9.999999770e-03, v3;
	v4 =	vmul.f32 $9.900000090e-01, v4;
	_ =	sdelay $0x1  }
0x158: {  	v3 =	vadd.f32 v4, v3  }
0x159: {  	v22 =	vld [tilespmem:s25+$0xECC0]  }
0x15a: {  	v24 =	vld [tilespmem:s25+$0xECD0];
	(erf) = vrcp.f32 v3  }
0x15b: {  	v25 =	vld [tilespmem:s25+$0x64D0]  }
0x15c: {  	v23 =	vld [tilespmem:s25+$0x64C0];
	_ =	sdelay $0x2  }
0x15d: {  	v5 =	vmul.f32 $9.900000090e-01, v22  }
0x15e: {  	v4 =	vmul.f32 $9.999999770e-03, v25;
	v3 =	vmul.f32 $9.900000090e-01, v24  }
0x15f: {  	v61 =	vld [tilespmem:s25+$0x64E0];
	v6 =	vmul.f32 $9.999999770e-03, v23  }
0x160: {  	v7 =	vld [tilespmem:s25+$0xECE0];
	v3 =	vadd.f32 v4, v3  }
0x161: {  	v4 =	vadd.f32 v6, v5;
	v5 =	vpop (erf)  }
0x162: {  	v27 =	vld [tilespmem:s25+$0xECF0];
	v3 =	vmul.f32 v3, v5  }
0x163: {  	v4 =	vmul.f32 v4, v5  }
0x164: {  	[tilespmem:s25+$0x16CD0] =	vst v3  }
0x165: {  	v2 =	vld [tilespmem:s25+$0x64F0];
	v6 =	vmul.f32 $9.999999770e-03, v61;
	v3 =	vmul.f32 $9.900000090e-01, v7;
	[tilespmem:s25+$0x16CC0] =	vst v4  }
0x166: {  	v5 =	vld [tilespmem:s23+$0x30]  }
0x167: {  	s28 =	simm.s32 $0x400;
	v4 =	vmul.f32 $9.900000090e-01, v27;
	v3 =	vadd.f32 v6, v3;
	v6 =	vld [tilespmem:s13+$0x30]  }
.LBB2_6:
0x168: {  	_ =	sdelay $0x1  }
0x169: {  	p0 =	sne.s32 s28, $0xFC00;
	s23 =	sadd.s32 $0x80, s23;
	s13 =	sadd.s32 $0x80, s13  }
0x16a: {  	s29 =	smov.u32 s28;
	s28 =	sadd.s32 $0x400, s28;
	v5 =	vmul.f32 $9.999999770e-03, v5  }
0x16b: {  	v6 =	vmul.f32 $9.900000090e-01, v6;
	_ =	sdelay $0x1  }
0x16c: {  	v5 =	vadd.f32 v6, v5;
	_ =	sdelay $0x1  }
0x16d: {  	(erf) = vrcp.f32 v5;
	_ =	sdelay $0x5  }
0x16e: {  	v2 =	vmul.f32 $9.999999770e-03, v2;
	_ =	sdelay $0x1  }
0x16f: {  	v2 =	vadd.f32 v2, v4  }
0x170: {  	v4 =	vpop (erf)  }
0x171: {  	v3 =	vmul.f32 v3, v4;
	v2 =	vmul.f32 v2, v4;
	_ =	sdelay $0x1  }
0x172: {  	[tilespmem:s25+$0x16CE0] =	vst v3  }
0x173: {  	[tilespmem:s25+$0x16CF0] =	vst v2  }
0x174: {  	v2 =	vld [tilespmem:s13+$0xFFFFFFC0]  }
0x175: {  	v3 =	vld [tilespmem:s23+$0xFFFFFFC0];
	_ =	sdelay $0x4  }
0x176: {  	s25 =	sshra.s32 s29, $0x2;
	v2 =	vmul.f32 $9.900000090e-01, v2;
	v3 =	vmul.f32 $9.999999770e-03, v3  }
0x177: {  	v4 =	vld [tilespmem:s25+$0x6410]  }
0x178: {  	v2 =	vadd.f32 v2, v3;
	v3 =	vld [tilespmem:s25+$0xEC00]  }
0x179: {  	v5 =	vld [tilespmem:s25+$0xEC10]  }
0x17a: {  	v6 =	vld [tilespmem:s25+$0x6400];
	(erf) = vrcp.f32 v2  }
0x17b: {  	v2 =	vld [tilespmem:s25+$0xEC20]  }
0x17c: {  	v7 =	vld [tilespmem:s25+$0x6420]  }
0x17d: {  	v4 =	vmul.f32 $9.999999770e-03, v4;
	v8 =	vld [tilespmem:s25+$0xEC30]  }
0x17e: {  	v3 =	vmul.f32 $9.900000090e-01, v3;
	v5 =	vmul.f32 $9.900000090e-01, v5;
	v9 =	vld [tilespmem:s25+$0x6430]  }
0x17f: {  	v6 =	vmul.f32 $9.999999770e-03, v6;
	v10 =	vld [tilespmem:s25+$0xEC40]  }
0x180: {  	v4 =	vadd.f32 v4, v5;
	v2 =	vmul.f32 $9.900000090e-01, v2;
	v5 =	vld [tilespmem:s25+$0x6440]  }
0x181: {  	v3 =	vadd.f32 v6, v3;
	v11 =	vmul.f32 $9.999999770e-03, v7;
	v7 =	vld [tilespmem:s25+$0xEC50]  }
0x182: {  	v8 =	vmul.f32 $9.900000090e-01, v8;
	v18 =	vld [tilespmem:s25+$0x6450]  }
0x183: {  	v19 =	vadd.f32 v11, v2;
	v2 =	vmul.f32 $9.999999770e-03, v9;
	v16 =	vld [tilespmem:s25+$0xEC60];
	v6 =	vpop (erf)  }
0x184: {  	v3 =	vmul.f32 v3, v6;
	v4 =	vmul.f32 v4, v6;
	v17 =	vld [tilespmem:s25+$0x6460]  }
0x185: {  	v20 =	vadd.f32 v2, v8;
	v2 =	vmul.f32 $9.900000090e-01, v10;
	v5 =	vmul.f32 $9.999999770e-03, v5;
	v6 =	vld [tilespmem:s25+$0xEC70]  }
0x186: {  	[tilespmem:s25+$0x16C00] =	vst v3;
	v21 =	vmul.f32 $9.900000090e-01, v7;
	v22 =	vld [tilespmem:s25+$0x6470]  }
0x187: {  	[tilespmem:s25+$0x16C10] =	vst v4;
	v23 =	vadd.f32 v5, v2;
	v12 =	vld [tilespmem:s25+$0xEC80]  }
0x188: {  	v2 =	vld [tilespmem:s23+$0xFFFFFFD0]  }
0x189: {  	v3 =	vld [tilespmem:s13+$0xFFFFFFD0]  }
0x18a: {  	v24 =	vmul.f32 $9.900000090e-01, v6;
	v4 =	vld [tilespmem:s25+$0x6480]  }
0x18b: {  	v5 =	vld [tilespmem:s25+$0xEC90]  }
0x18c: {  	v13 =	vld [tilespmem:s25+$0x6490]  }
0x18d: {  	v2 =	vmul.f32 $9.999999770e-03, v2;
	v6 =	vld [tilespmem:s25+$0xECA0]  }
0x18e: {  	v3 =	vmul.f32 $9.900000090e-01, v3;
	v7 =	vld [tilespmem:s25+$0x64A0]  }
0x18f: {  	v14 =	vmul.f32 $9.999999770e-03, v4;
	v4 =	vld [tilespmem:s25+$0xECB0]  }
0x190: {  	v2 =	vadd.f32 v3, v2;
	v15 =	vmul.f32 $9.900000090e-01, v5;
	v9 =	vld [tilespmem:s25+$0x64B0]  }
0x191: {  	v3 =	vld [tilespmem:s25+$0xECC0]  }
0x192: {  	v8 =	vmul.f32 $9.900000090e-01, v6;
	v5 =	vld [tilespmem:s25+$0x64C0];
	(erf) = vrcp.f32 v2  }
0x193: {  	v2 =	vmul.f32 $9.999999770e-03, v7;
	v25 =	vld [tilespmem:s25+$0xECD0]  }
0x194: {  	v11 =	vmul.f32 $9.900000090e-01, v4;
	v6 =	vld [tilespmem:s25+$0x64D0]  }
0x195: {  	v10 =	vadd.f32 v2, v8;
	v4 =	vld [tilespmem:s25+$0xECE0]  }
0x196: {  	v7 =	vmul.f32 $9.900000090e-01, v3;
	v3 =	vld [tilespmem:s25+$0x64E0]  }
0x197: {  	v26 =	vld [tilespmem:s25+$0xECF0]  }
0x198: {  	v8 =	vmul.f32 $9.900000090e-01, v25;
	v2 =	vld [tilespmem:s25+$0x64F0];
	_ =	sdelay $0x1  }
0x199: {  	v4 =	vmul.f32 $9.900000090e-01, v4  }
0x19a: {  	v3 =	vmul.f32 $9.999999770e-03, v3;
	v25 =	vpop (erf)  }
0x19b: {  	v19 =	vmul.f32 v19, v25;
	v20 =	vmul.f32 v20, v25  }
0x19c: {  	v3 =	vadd.f32 v3, v4;
	v4 =	vmul.f32 $9.900000090e-01, v26  }
0x19d: {  	[tilespmem:s25+$0x16C20] =	vst v19  }
0x19e: {  	[tilespmem:s25+$0x16C30] =	vst v20  }
0x19f: {  	v19 =	vld [tilespmem:s23+$0xFFFFFFE0]  }
0x1a0: {  	v20 =	vld [tilespmem:s13+$0xFFFFFFE0];
	_ =	sdelay $0x3  }
0x1a1: {  	v19 =	vmul.f32 $9.999999770e-03, v19  }
0x1a2: {  	v20 =	vmul.f32 $9.900000090e-01, v20;
	_ =	sdelay $0x1  }
0x1a3: {  	v19 =	vadd.f32 v20, v19;
	_ =	sdelay $0x1  }
0x1a4: {  	(erf) = vrcp.f32 v19;
	_ =	sdelay $0x5  }
0x1a5: {  	v18 =	vmul.f32 $9.999999770e-03, v18;
	_ =	sdelay $0x1  }
0x1a6: {  	v18 =	vadd.f32 v18, v21  }
0x1a7: {  	v19 =	vpop (erf)  }
0x1a8: {  	v20 =	vmul.f32 v23, v19;
	v18 =	vmul.f32 v18, v19;
	_ =	sdelay $0x1  }
0x1a9: {  	[tilespmem:s25+$0x16C50] =	vst v18  }
0x1aa: {  	[tilespmem:s25+$0x16C40] =	vst v20  }
0x1ab: {  	v18 =	vld [tilespmem:s23+$0xFFFFFFF0]  }
0x1ac: {  	v19 =	vld [tilespmem:s13+$0xFFFFFFF0];
	_ =	sdelay $0x3  }
0x1ad: {  	v18 =	vmul.f32 $9.999999770e-03, v18  }
0x1ae: {  	v19 =	vmul.f32 $9.900000090e-01, v19;
	_ =	sdelay $0x1  }
0x1af: {  	v18 =	vadd.f32 v19, v18;
	_ =	sdelay $0x1  }
0x1b0: {  	(erf) = vrcp.f32 v18;
	_ =	sdelay $0x4  }
0x1b1: {  	v18 =	vmul.f32 $9.999999770e-03, v22  }
0x1b2: {  	v16 =	vmul.f32 $9.900000090e-01, v16;
	v17 =	vmul.f32 $9.999999770e-03, v17;
	_ =	sdelay $0x1  }
0x1b3: {  	v16 =	vadd.f32 v17, v16;
	v17 =	vadd.f32 v18, v24  }
0x1b4: {  	v18 =	vpop (erf)  }
0x1b5: {  	v16 =	vmul.f32 v16, v18;
	v17 =	vmul.f32 v17, v18;
	_ =	sdelay $0x1  }
0x1b6: {  	[tilespmem:s25+$0x16C60] =	vst v16  }
0x1b7: {  	[tilespmem:s25+$0x16C70] =	vst v17  }
0x1b8: {  	v16 =	vld [tilespmem:s23+$0x0]  }
0x1b9: {  	v17 =	vld [tilespmem:s13+$0x0];
	_ =	sdelay $0x3  }
0x1ba: {  	v16 =	vmul.f32 $9.999999770e-03, v16  }
0x1bb: {  	v17 =	vmul.f32 $9.900000090e-01, v17;
	_ =	sdelay $0x1  }
0x1bc: {  	v16 =	vadd.f32 v17, v16;
	_ =	sdelay $0x1  }
0x1bd: {  	(erf) = vrcp.f32 v16;
	_ =	sdelay $0x5  }
0x1be: {  	v12 =	vmul.f32 $9.900000090e-01, v12;
	v13 =	vmul.f32 $9.999999770e-03, v13;
	_ =	sdelay $0x1  }
0x1bf: {  	v12 =	vadd.f32 v14, v12;
	v13 =	vadd.f32 v13, v15  }
0x1c0: {  	v14 =	vpop (erf)  }
0x1c1: {  	v12 =	vmul.f32 v12, v14;
	v13 =	vmul.f32 v13, v14;
	_ =	sdelay $0x1  }
0x1c2: {  	[tilespmem:s25+$0x16C80] =	vst v12  }
0x1c3: {  	[tilespmem:s25+$0x16C90] =	vst v13  }
0x1c4: {  	v12 =	vld [tilespmem:s23+$0x10]  }
0x1c5: {  	v13 =	vld [tilespmem:s13+$0x10];
	_ =	sdelay $0x3  }
0x1c6: {  	v12 =	vmul.f32 $9.999999770e-03, v12  }
0x1c7: {  	v13 =	vmul.f32 $9.900000090e-01, v13;
	_ =	sdelay $0x1  }
0x1c8: {  	v12 =	vadd.f32 v13, v12;
	_ =	sdelay $0x1  }
0x1c9: {  	(erf) = vrcp.f32 v12;
	_ =	sdelay $0x5  }
0x1ca: {  	v9 =	vmul.f32 $9.999999770e-03, v9;
	_ =	sdelay $0x1  }
0x1cb: {  	v9 =	vadd.f32 v9, v11  }
0x1cc: {  	v11 =	vpop (erf)  }
0x1cd: {  	v10 =	vmul.f32 v10, v11;
	v9 =	vmul.f32 v9, v11;
	_ =	sdelay $0x1  }
0x1ce: {  	[tilespmem:s25+$0x16CA0] =	vst v10  }
0x1cf: {  	[tilespmem:s25+$0x16CB0] =	vst v9  }
0x1d0: {  	v9 =	vld [tilespmem:s23+$0x20]  }
0x1d1: {  	v10 =	vld [tilespmem:s13+$0x20];
	_ =	sdelay $0x3  }
0x1d2: {  	v9 =	vmul.f32 $9.999999770e-03, v9  }
0x1d3: {  	v10 =	vmul.f32 $9.900000090e-01, v10;
	_ =	sdelay $0x1  }
0x1d4: {  	v9 =	vadd.f32 v10, v9;
	_ =	sdelay $0x1  }
0x1d5: {  	(erf) = vrcp.f32 v9;
	_ =	sdelay $0x5  }
0x1d6: {  	v5 =	vmul.f32 $9.999999770e-03, v5;
	v6 =	vmul.f32 $9.999999770e-03, v6;
	_ =	sdelay $0x1  }
0x1d7: {  	v5 =	vadd.f32 v5, v7;
	v6 =	vadd.f32 v6, v8  }
0x1d8: {  	v7 =	vpop (erf)  }
0x1d9: {  	v5 =	vmul.f32 v5, v7;
	v6 =	vmul.f32 v6, v7  }
.Ltmp2:
0x1da: {  	(pc) =	sbr.rel @p0 .LBB2_6-.Ltmp2, $4  }
0x1db: {  	[tilespmem:s25+$0x16CD0] =	vst v6  }
0x1dc: {  	[tilespmem:s25+$0x16CC0] =	vst v5  }
0x1dd: {  	v5 =	vld [tilespmem:s23+$0x30]  }
0x1de: {  	v6 =	vld [tilespmem:s13+$0x30]  }
0x1df: {  	_ =	sdelay $0x3  }
0x1e0: {  	v5 =	vmul.f32 $9.999999770e-03, v5;
	v6 =	vmul.f32 $9.900000090e-01, v6;
	_ =	sdelay $0x1  }
0x1e1: {  	v5 =	vadd.f32 v6, v5;
	_ =	sdelay $0x1  }
0x1e2: {  	(erf) = vrcp.f32 v5;
	_ =	sdelay $0x6  }
0x1e3: {  	v2 =	vmul.f32 $9.999999770e-03, v2;
	_ =	sdelay $0x1  }
0x1e4: {  	v2 =	vadd.f32 v2, v4;
	v63 =	vpop (erf)  }
0x1e5: {  	v3 =	vmul.f32 v3, v63  }
0x1e6: {  	s4 =	sadd.s32 $0x1, s4;
	v2 =	vmul.f32 v2, v63  }
0x1e7: {  	p0 =	sne.s32 s4, s12;
	[tilespmem:s25+$0x16CE0] =	vst v3  }
.Ltmp3:
0x1e8: {  	[tilespmem:s25+$0x16CF0] =	vst v2;
	(pc) =	sbr.rel @p0 .LBB2_1-.Ltmp3, $4  }
0x1e9: {  	[hbm4b:s11+s14] =	stream.strided.scatter [tilespmem:s3], [sflag:$0x3], $0x4000, s15, s14, $0x38;
	[tilespmem:$0x1AC00] =	vst v63  }
0x1ea: {  	_ =	swait.ge [sflag:s17], $0x4000  }
0x1eb: {  	[sflag:s17] =	ssyncset.done $0x0  }
0x1ec: {  	[sflag:s17] =	ssyncadd.s32 $0xFFFFC000  }
0x1ed: {  	_ =	sfence.sel $0x180000  }
0x1ee: {  	[bflag:$0x0] =	sbarrier.arrive $0xFFFF  }
0x1ef: {  	_ =	strace $0x90000047  }
0x1f0: {  	s0 =	stileid.u32;
	[bflag:$0x2] =	sbarrier.arrive $0xFFFF  }
0x1f1: {  	p0 =	sne.s32 s0, $0x0;
	s0 =	rddreg [dreg:$0x5]  }
0x1f2: {  	s0 =	sadd.s32 @!p0 $0x100000, s0  }
0x1f3: {  	[sflag:s0] =	ssyncadd.tile.s32 @!p0 $0x1;
	_ =	shalt  }
.Lfunc_end2:
_tile_overlayer_lowered:
.L_overlay_start_2:
0x1f4: {  	(tag) =	ssettag $0x2  }
0x1f5: {  	s0 =	rddreg [dreg:$0x0];
	s2 =	stileid.u32  }
0x1f6: {  	s1 =	rddreg [dreg:$0x1];
	p0 =	sne.s32 s2, $0x0  }
0x1f7: {  	s3 =	rddreg [dreg:$0x2];
	[bflag:$0x3] =	sbarrier.arrive $0xFFFF;
	s2 =	simm.s32 @!p0 $0x1C03  }
0x1f8: {  	[timem:s3], [sflag:s2] =	dma.local @!p0 [hbm:s0], s1  }
0x1f9: {  	s0 =	simm.s32 @!p0 $0x3  }
0x1fa: {  	_ =	swait.ge @!p0 [sflag:s0], s1  }
0x1fb: {  	s1 =	ssub.s32 @!p0 $0x0, s1;
	[sflag:s0] =	ssyncset.done @!p0 $0x0  }
0x1fc: {  	[sflag:s0] =	ssyncadd.s32 @!p0 s1  }
0x1fd: {  	[bflag:$0x3] =	sbarrier.arrive $0xFFFF  }
0x1fe: {  	_ =	shalt  }

</sc_bundles>
